<compile_context>
chip_gen: v7x
topology: tpu7x:2x2x1
jax: 0.10.2.dev20260603
libtpu: 0.0.44.dev20260713+nightly
codegen_flags: <defaults>
</compile_context>

<pallas_src>
import math

import jax
import jax.numpy as jnp
from jax import lax
from jax.experimental import pallas as pl
from jax.experimental.pallas import tpu as pltpu
from jax.experimental.pallas import tpu_sc as plsc

D_MODEL = 64
SCALE = math.sqrt(D_MODEL)
OUT_W = 128

NC = 2
NS = 16
NW = NC * NS
L = 16

BLK = 128
R = 8


def _encoder_body(idx_hbm, wt_hbm, out_hbm, idx_v, out_v, *slabs_sems):
    slabs = slabs_sems[:R]
    sems = slabs_sems[R:2 * R]
    osem = slabs_sems[2 * R]
    n_per_w = idx_hbm.shape[1]
    wid = lax.axis_index("s") * NC + lax.axis_index("c")

    pltpu.sync_copy(idx_hbm.at[wid], idx_v.at[pl.ds(0, n_per_w)])

    iota = lax.iota(jnp.int32, L)

    def fire(t, r):
        blk0 = pl.multiple_of((t >> 7) << 7, BLK)
        pltpu.async_copy(
            wt_hbm.at[:, pl.ds(blk0, BLK)], slabs[r], sems[r]
        )

    def extract(t, i, r):
        j_vec = jnp.full((L,), t & (BLK - 1), jnp.int32)
        for c0 in range(0, D_MODEL, L):
            vals = plsc.load_gather(slabs[r], [c0 + iota, j_vec])
            out_v[i, pl.ds(c0, L)] = vals * SCALE

    t_prime = idx_v[pl.ds(0, L)]
    for r in range(R):
        fire(t_prime[r], r)

    def loop_body(g, carry):
        base = g * L
        t_cur = idx_v[pl.ds(base, L)]
        t_nxt = idx_v[pl.ds(base + L, L)]
        for k in range(L):
            i = base + k
            r = k % R
            pltpu.make_async_copy(
                wt_hbm.at[:, pl.ds(0, BLK)], slabs[r], sems[r]
            ).wait()
            extract(t_cur[k], i, r)
            t_ahead = t_cur[k + R] if k + R < L else t_nxt[k + R - L]

            @pl.when(i + R < n_per_w)
            def _():
                fire(t_ahead, r)

        return carry

    lax.fori_loop(0, n_per_w // L, loop_body, 0)

    pltpu.async_copy(
        out_v, out_hbm.at[pl.ds(wid * n_per_w, n_per_w)], osem
    ).wait()


def kernel(src, weight):
    seq_len, batch = src.shape
    n_tokens, d_model = weight.shape
    b_total = seq_len * batch
    assert d_model == D_MODEL
    n_per_w = b_total // NW
    assert b_total % NW == 0 and n_per_w % R == 0

    idx = src.reshape(NW, n_per_w).astype(jnp.int32)
    wt = weight.T

    gather = pl.kernel(
        _encoder_body,
        out_type=jax.ShapeDtypeStruct((b_total, OUT_W), jnp.float32),
        mesh=plsc.VectorSubcoreMesh(
            core_axis_name="c", subcore_axis_name="s",
            num_cores=NC, num_subcores=NS,
        ),
        scratch_types=(
            [
                pltpu.VMEM((n_per_w + L,), jnp.int32),
                pltpu.VMEM((n_per_w, OUT_W), jnp.float32),
            ]
            + [pltpu.VMEM((D_MODEL, BLK), jnp.float32) for _ in range(R)]
            + [pltpu.SemaphoreType.DMA for _ in range(R + 1)]
        ),
        compiler_params=pltpu.CompilerParams(
            use_tc_tiling_on_sc=True, needs_layout_passes=False
        ),
    )
    out = gather(idx, wt)
    return out[:, :d_model].reshape(seq_len, batch, d_model)

# --- scband reference (transcript-rebuilt; emitter-appended) ---
"""Pipeline reference for scband-sin-cos-text-encoder-32315333935233 (READ-ONLY COPY).

The authoritative reference and input builder live on the scoring server;
editing this copy changes nothing except your own understanding.
"""

import math
import jax, jax.numpy as jnp
import numpy as np

N_TOKENS = 1000000
D_MODEL = 64
INIT_RANGE = 0.1

def setup_inputs(seed: int = 0) -> dict:
    key = jax.random.key(seed)
    k_src, k_w = jax.random.split(key)
    src = jax.random.randint(k_src, (2048, 4), 0, N_TOKENS, dtype=jnp.int64 if jax.config.read('jax_enable_x64') else jnp.int32)
    weight = jax.random.uniform(k_w, (N_TOKENS, D_MODEL), dtype=jnp.float32, minval=-INIT_RANGE, maxval=INIT_RANGE)
    return {"src": src, "weight": weight}

def reference(src, weight):
    # nn.Embedding lookup followed by scaling with sqrt(d_model)
    emb = jnp.take(weight, src, axis=0)  # [seq_len, batch, d_model]
    return emb * math.sqrt(D_MODEL)

if __name__ == "__main__":
    import jax
    _d = setup_inputs()
    print(jax.jit(kernel)(*tuple(_d.values())))

</pallas_src>

<mosaic_0001>
#map = affine_map<(d0, d1) -> (0, 0)>
module attributes {stable_mosaic.version = 14 : i64} {
  func.func @_encoder_body(%arg0: i32, %arg1: i32, %arg2: memref<32x256xi32, #tpu.memory_space<hbm>>, %arg3: memref<64x1000000xf32, #tpu.memory_space<hbm>>, %arg4: memref<8192x128xf32, #tpu.memory_space<hbm>>, %arg5: memref<272xi32, #tpu.memory_space<vmem>>, %arg6: memref<256x128xf32, #tpu.memory_space<vmem>>, %arg7: memref<64x128xf32, #tpu.memory_space<vmem>>, %arg8: memref<64x128xf32, #tpu.memory_space<vmem>>, %arg9: memref<64x128xf32, #tpu.memory_space<vmem>>, %arg10: memref<64x128xf32, #tpu.memory_space<vmem>>, %arg11: memref<64x128xf32, #tpu.memory_space<vmem>>, %arg12: memref<64x128xf32, #tpu.memory_space<vmem>>, %arg13: memref<64x128xf32, #tpu.memory_space<vmem>>, %arg14: memref<64x128xf32, #tpu.memory_space<vmem>>, %arg15: memref<!tpu.dma_semaphore, #tpu.memory_space<semaphore_mem>>, %arg16: memref<!tpu.dma_semaphore, #tpu.memory_space<semaphore_mem>>, %arg17: memref<!tpu.dma_semaphore, #tpu.memory_space<semaphore_mem>>, %arg18: memref<!tpu.dma_semaphore, #tpu.memory_space<semaphore_mem>>, %arg19: memref<!tpu.dma_semaphore, #tpu.memory_space<semaphore_mem>>, %arg20: memref<!tpu.dma_semaphore, #tpu.memory_space<semaphore_mem>>, %arg21: memref<!tpu.dma_semaphore, #tpu.memory_space<semaphore_mem>>, %arg22: memref<!tpu.dma_semaphore, #tpu.memory_space<semaphore_mem>>, %arg23: memref<!tpu.dma_semaphore, #tpu.memory_space<semaphore_mem>>) attributes {dimension_semantics = [#tpu.dimension_semantics<core_parallel>, #tpu.dimension_semantics<subcore_parallel>], iteration_bounds = array<i64: 2, 16>, scalar_prefetch = 0 : i64, scratch_operands = 19 : i64, tpu.core_type = #tpu.core_type<sc_vector_subcore>, window_params = [{transform_indices = #map}, {transform_indices = #map}, {transform_indices = #map}]} {
    %mul3A = arith.constant 2 : i32
    %mul3A_0 = arith.muli %arg1, %mul3A : i32
    %add3A = arith.addi %mul3A_0, %arg0 : i32
    "tpu.region"() ({
      %run_scoped3A = tpu.sem_alloc : memref<!tpu.dma_semaphore, #tpu.memory_space<semaphore_mem>>
      %dma_start3A_98 = arith.constant 0 : i32
      %dma_start3A_99 = tpu.memref_slice %arg5[%dma_start3A_98] : memref<272xi32, #tpu.memory_space<vmem>> -> memref<256xi32, #tpu.memory_space<vmem>>
      %dma_start3A_100 = arith.constant 0 : i32
      %dma_start3A_101 = tpu.memref_slice %arg2[%add3A, %dma_start3A_100] : memref<32x256xi32, #tpu.memory_space<hbm>> -> memref<1x256xi32, #tpu.memory_space<hbm>>
      %dma_start3A_102 = tpu.memref_squeeze %dma_start3A_101 : memref<1x256xi32, #tpu.memory_space<hbm>> -> memref<256xi32, #tpu.memory_space<hbm>>
      %dma_start3A_103 = arith.constant 0 : i32
      %dma_start3A_104 = tpu.memref_slice %arg5[%dma_start3A_103] : memref<272xi32, #tpu.memory_space<vmem>> -> memref<256xi32, #tpu.memory_space<vmem>>
      %dma_start3A_105 = arith.constant 0 : i32
      %dma_start3A_106 = tpu.memref_slice %arg2[%add3A, %dma_start3A_105] : memref<32x256xi32, #tpu.memory_space<hbm>> -> memref<1x256xi32, #tpu.memory_space<hbm>>
      %dma_start3A_107 = tpu.memref_squeeze %dma_start3A_106 : memref<1x256xi32, #tpu.memory_space<hbm>> -> memref<256xi32, #tpu.memory_space<hbm>>
      tpu.enqueue_dma source(%dma_start3A_107 : memref<256xi32, #tpu.memory_space<hbm>>) target(%dma_start3A_104 : memref<256xi32, #tpu.memory_space<vmem>>) target_semaphore(%run_scoped3A : memref<!tpu.dma_semaphore, #tpu.memory_space<semaphore_mem>>)
      %dma_wait3A_108 = arith.constant 0 : i32
      %dma_wait3A_109 = tpu.memref_slice %arg5[%dma_wait3A_108] : memref<272xi32, #tpu.memory_space<vmem>> -> memref<256xi32, #tpu.memory_space<vmem>>
      %dma_wait3A_110 = arith.constant 0 : i32
      %dma_wait3A_111 = tpu.memref_slice %arg2[%add3A, %dma_wait3A_110] : memref<32x256xi32, #tpu.memory_space<hbm>> -> memref<1x256xi32, #tpu.memory_space<hbm>>
      %dma_wait3A_112 = tpu.memref_squeeze %dma_wait3A_111 : memref<1x256xi32, #tpu.memory_space<hbm>> -> memref<256xi32, #tpu.memory_space<hbm>>
      %dma_wait3A_113 = arith.constant 0 : i32
      %dma_wait3A_114 = tpu.memref_slice %arg5[%dma_wait3A_113] : memref<272xi32, #tpu.memory_space<vmem>> -> memref<256xi32, #tpu.memory_space<vmem>>
      %dma_wait3A_115 = arith.constant 0 : i32
      %dma_wait3A_116 = tpu.memref_slice %arg2[%add3A, %dma_wait3A_115] : memref<32x256xi32, #tpu.memory_space<hbm>> -> memref<1x256xi32, #tpu.memory_space<hbm>>
      %dma_wait3A_117 = tpu.memref_squeeze %dma_wait3A_116 : memref<1x256xi32, #tpu.memory_space<hbm>> -> memref<256xi32, #tpu.memory_space<hbm>>
      tpu.wait_dma2 semaphore(%run_scoped3A : memref<!tpu.dma_semaphore, #tpu.memory_space<semaphore_mem>>) src(%dma_wait3A_117 : memref<256xi32, #tpu.memory_space<hbm>>) dst(%dma_wait3A_114 : memref<256xi32, #tpu.memory_space<vmem>>)
      tpu.yield
    }) : () -> ()
    %iota3A = tpu.iota {dimensions = array<i32: 0>} : vector<16xi32>
    %get3A = arith.constant 0 : index
    %get3A_1 = tpu.vector_load %arg5[%get3A] {strides = array<i32>} : memref<272xi32, #tpu.memory_space<vmem>>, vector<16xi32>,
    %slice3A = vector.extract_strided_slice %get3A_1 {offsets = [0], sizes = [1], strides = [1]} : vector<16xi32> to vector<1xi32>
    %squeeze3A = vector.extract %slice3A[0] : i32 from vector<1xi32>
    %shift_right_arithmetic3A = arith.constant 7 : i32
    %shift_right_arithmetic3A_2 = arith.shrsi %squeeze3A, %shift_right_arithmetic3A : i32
    %shift_left3A = arith.constant 7 : i32
    %shift_left3A_3 = arith.shli %shift_right_arithmetic3A_2, %shift_left3A : i32
    %multiple_of3A = tpu.assume_multiple %shift_left3A_3, 128 : i32
    %dma_start3A = arith.constant 0 : i32
    %dma_start3A_4 = tpu.memref_slice %arg3[%dma_start3A, %multiple_of3A] : memref<64x1000000xf32, #tpu.memory_space<hbm>> -> memref<64x128xf32, #tpu.memory_space<hbm>>
    %dma_start3A_5 = arith.constant 0 : i32
    %dma_start3A_6 = tpu.memref_slice %arg3[%dma_start3A_5, %multiple_of3A] : memref<64x1000000xf32, #tpu.memory_space<hbm>> -> memref<64x128xf32, #tpu.memory_space<hbm>>
    tpu.enqueue_dma source(%dma_start3A_6 : memref<64x128xf32, #tpu.memory_space<hbm>>) target(%arg7 : memref<64x128xf32, #tpu.memory_space<vmem>>) target_semaphore(%arg15 : memref<!tpu.dma_semaphore, #tpu.memory_space<semaphore_mem>>)
    %slice3A_7 = vector.extract_strided_slice %get3A_1 {offsets = [1], sizes = [1], strides = [1]} : vector<16xi32> to vector<1xi32>
    %squeeze3A_8 = vector.extract %slice3A_7[0] : i32 from vector<1xi32>
    %shift_right_arithmetic3A_9 = arith.constant 7 : i32
    %shift_right_arithmetic3A_10 = arith.shrsi %squeeze3A_8, %shift_right_arithmetic3A_9 : i32
    %shift_left3A_11 = arith.constant 7 : i32
    %shift_left3A_12 = arith.shli %shift_right_arithmetic3A_10, %shift_left3A_11 : i32
    %multiple_of3A_13 = tpu.assume_multiple %shift_left3A_12, 128 : i32
    %dma_start3A_14 = arith.constant 0 : i32
    %dma_start3A_15 = tpu.memref_slice %arg3[%dma_start3A_14, %multiple_of3A_13] : memref<64x1000000xf32, #tpu.memory_space<hbm>> -> memref<64x128xf32, #tpu.memory_space<hbm>>
    %dma_start3A_16 = arith.constant 0 : i32
    %dma_start3A_17 = tpu.memref_slice %arg3[%dma_start3A_16, %multiple_of3A_13] : memref<64x1000000xf32, #tpu.memory_space<hbm>> -> memref<64x128xf32, #tpu.memory_space<hbm>>
    tpu.enqueue_dma source(%dma_start3A_17 : memref<64x128xf32, #tpu.memory_space<hbm>>) target(%arg8 : memref<64x128xf32, #tpu.memory_space<vmem>>) target_semaphore(%arg16 : memref<!tpu.dma_semaphore, #tpu.memory_space<semaphore_mem>>)
    %slice3A_18 = vector.extract_strided_slice %get3A_1 {offsets = [2], sizes = [1], strides = [1]} : vector<16xi32> to vector<1xi32>
    %squeeze3A_19 = vector.extract %slice3A_18[0] : i32 from vector<1xi32>
    %shift_right_arithmetic3A_20 = arith.constant 7 : i32
    %shift_right_arithmetic3A_21 = arith.shrsi %squeeze3A_19, %shift_right_arithmetic3A_20 : i32
    %shift_left3A_22 = arith.constant 7 : i32
    %shift_left3A_23 = arith.shli %shift_right_arithmetic3A_21, %shift_left3A_22 : i32
    %multiple_of3A_24 = tpu.assume_multiple %shift_left3A_23, 128 : i32
    %dma_start3A_25 = arith.constant 0 : i32
    %dma_start3A_26 = tpu.memref_slice %arg3[%dma_start3A_25, %multiple_of3A_24] : memref<64x1000000xf32, #tpu.memory_space<hbm>> -> memref<64x128xf32, #tpu.memory_space<hbm>>
    %dma_start3A_27 = arith.constant 0 : i32
    %dma_start3A_28 = tpu.memref_slice %arg3[%dma_start3A_27, %multiple_of3A_24] : memref<64x1000000xf32, #tpu.memory_space<hbm>> -> memref<64x128xf32, #tpu.memory_space<hbm>>
    tpu.enqueue_dma source(%dma_start3A_28 : memref<64x128xf32, #tpu.memory_space<hbm>>) target(%arg9 : memref<64x128xf32, #tpu.memory_space<vmem>>) target_semaphore(%arg17 : memref<!tpu.dma_semaphore, #tpu.memory_space<semaphore_mem>>)
    %slice3A_29 = vector.extract_strided_slice %get3A_1 {offsets = [3], sizes = [1], strides = [1]} : vector<16xi32> to vector<1xi32>
    %squeeze3A_30 = vector.extract %slice3A_29[0] : i32 from vector<1xi32>
    %shift_right_arithmetic3A_31 = arith.constant 7 : i32
    %shift_right_arithmetic3A_32 = arith.shrsi %squeeze3A_30, %shift_right_arithmetic3A_31 : i32
    %shift_left3A_33 = arith.constant 7 : i32
    %shift_left3A_34 = arith.shli %shift_right_arithmetic3A_32, %shift_left3A_33 : i32
    %multiple_of3A_35 = tpu.assume_multiple %shift_left3A_34, 128 : i32
    %dma_start3A_36 = arith.constant 0 : i32
    %dma_start3A_37 = tpu.memref_slice %arg3[%dma_start3A_36, %multiple_of3A_35] : memref<64x1000000xf32, #tpu.memory_space<hbm>> -> memref<64x128xf32, #tpu.memory_space<hbm>>
    %dma_start3A_38 = arith.constant 0 : i32
    %dma_start3A_39 = tpu.memref_slice %arg3[%dma_start3A_38, %multiple_of3A_35] : memref<64x1000000xf32, #tpu.memory_space<hbm>> -> memref<64x128xf32, #tpu.memory_space<hbm>>
    tpu.enqueue_dma source(%dma_start3A_39 : memref<64x128xf32, #tpu.memory_space<hbm>>) target(%arg10 : memref<64x128xf32, #tpu.memory_space<vmem>>) target_semaphore(%arg18 : memref<!tpu.dma_semaphore, #tpu.memory_space<semaphore_mem>>)
    %slice3A_40 = vector.extract_strided_slice %get3A_1 {offsets = [4], sizes = [1], strides = [1]} : vector<16xi32> to vector<1xi32>
    %squeeze3A_41 = vector.extract %slice3A_40[0] : i32 from vector<1xi32>
    %shift_right_arithmetic3A_42 = arith.constant 7 : i32
    %shift_right_arithmetic3A_43 = arith.shrsi %squeeze3A_41, %shift_right_arithmetic3A_42 : i32
    %shift_left3A_44 = arith.constant 7 : i32
    %shift_left3A_45 = arith.shli %shift_right_arithmetic3A_43, %shift_left3A_44 : i32
    %multiple_of3A_46 = tpu.assume_multiple %shift_left3A_45, 128 : i32
    %dma_start3A_47 = arith.constant 0 : i32
    %dma_start3A_48 = tpu.memref_slice %arg3[%dma_start3A_47, %multiple_of3A_46] : memref<64x1000000xf32, #tpu.memory_space<hbm>> -> memref<64x128xf32, #tpu.memory_space<hbm>>
    %dma_start3A_49 = arith.constant 0 : i32
    %dma_start3A_50 = tpu.memref_slice %arg3[%dma_start3A_49, %multiple_of3A_46] : memref<64x1000000xf32, #tpu.memory_space<hbm>> -> memref<64x128xf32, #tpu.memory_space<hbm>>
    tpu.enqueue_dma source(%dma_start3A_50 : memref<64x128xf32, #tpu.memory_space<hbm>>) target(%arg11 : memref<64x128xf32, #tpu.memory_space<vmem>>) target_semaphore(%arg19 : memref<!tpu.dma_semaphore, #tpu.memory_space<semaphore_mem>>)
    %slice3A_51 = vector.extract_strided_slice %get3A_1 {offsets = [5], sizes = [1], strides = [1]} : vector<16xi32> to vector<1xi32>
    %squeeze3A_52 = vector.extract %slice3A_51[0] : i32 from vector<1xi32>
    %shift_right_arithmetic3A_53 = arith.constant 7 : i32
    %shift_right_arithmetic3A_54 = arith.shrsi %squeeze3A_52, %shift_right_arithmetic3A_53 : i32
    %shift_left3A_55 = arith.constant 7 : i32
    %shift_left3A_56 = arith.shli %shift_right_arithmetic3A_54, %shift_left3A_55 : i32
    %multiple_of3A_57 = tpu.assume_multiple %shift_left3A_56, 128 : i32
    %dma_start3A_58 = arith.constant 0 : i32
    %dma_start3A_59 = tpu.memref_slice %arg3[%dma_start3A_58, %multiple_of3A_57] : memref<64x1000000xf32, #tpu.memory_space<hbm>> -> memref<64x128xf32, #tpu.memory_space<hbm>>
    %dma_start3A_60 = arith.constant 0 : i32
    %dma_start3A_61 = tpu.memref_slice %arg3[%dma_start3A_60, %multiple_of3A_57] : memref<64x1000000xf32, #tpu.memory_space<hbm>> -> memref<64x128xf32, #tpu.memory_space<hbm>>
    tpu.enqueue_dma source(%dma_start3A_61 : memref<64x128xf32, #tpu.memory_space<hbm>>) target(%arg12 : memref<64x128xf32, #tpu.memory_space<vmem>>) target_semaphore(%arg20 : memref<!tpu.dma_semaphore, #tpu.memory_space<semaphore_mem>>)
    %slice3A_62 = vector.extract_strided_slice %get3A_1 {offsets = [6], sizes = [1], strides = [1]} : vector<16xi32> to vector<1xi32>
    %squeeze3A_63 = vector.extract %slice3A_62[0] : i32 from vector<1xi32>
    %shift_right_arithmetic3A_64 = arith.constant 7 : i32
    %shift_right_arithmetic3A_65 = arith.shrsi %squeeze3A_63, %shift_right_arithmetic3A_64 : i32
    %shift_left3A_66 = arith.constant 7 : i32
    %shift_left3A_67 = arith.shli %shift_right_arithmetic3A_65, %shift_left3A_66 : i32
    %multiple_of3A_68 = tpu.assume_multiple %shift_left3A_67, 128 : i32
    %dma_start3A_69 = arith.constant 0 : i32
    %dma_start3A_70 = tpu.memref_slice %arg3[%dma_start3A_69, %multiple_of3A_68] : memref<64x1000000xf32, #tpu.memory_space<hbm>> -> memref<64x128xf32, #tpu.memory_space<hbm>>
    %dma_start3A_71 = arith.constant 0 : i32
    %dma_start3A_72 = tpu.memref_slice %arg3[%dma_start3A_71, %multiple_of3A_68] : memref<64x1000000xf32, #tpu.memory_space<hbm>> -> memref<64x128xf32, #tpu.memory_space<hbm>>
    tpu.enqueue_dma source(%dma_start3A_72 : memref<64x128xf32, #tpu.memory_space<hbm>>) target(%arg13 : memref<64x128xf32, #tpu.memory_space<vmem>>) target_semaphore(%arg21 : memref<!tpu.dma_semaphore, #tpu.memory_space<semaphore_mem>>)
    %slice3A_73 = vector.extract_strided_slice %get3A_1 {offsets = [7], sizes = [1], strides = [1]} : vector<16xi32> to vector<1xi32>
    %squeeze3A_74 = vector.extract %slice3A_73[0] : i32 from vector<1xi32>
    %shift_right_arithmetic3A_75 = arith.constant 7 : i32
    %shift_right_arithmetic3A_76 = arith.shrsi %squeeze3A_74, %shift_right_arithmetic3A_75 : i32
    %shift_left3A_77 = arith.constant 7 : i32
    %shift_left3A_78 = arith.shli %shift_right_arithmetic3A_76, %shift_left3A_77 : i32
    %multiple_of3A_79 = tpu.assume_multiple %shift_left3A_78, 128 : i32
    %dma_start3A_80 = arith.constant 0 : i32
    %dma_start3A_81 = tpu.memref_slice %arg3[%dma_start3A_80, %multiple_of3A_79] : memref<64x1000000xf32, #tpu.memory_space<hbm>> -> memref<64x128xf32, #tpu.memory_space<hbm>>
    %dma_start3A_82 = arith.constant 0 : i32
    %dma_start3A_83 = tpu.memref_slice %arg3[%dma_start3A_82, %multiple_of3A_79] : memref<64x1000000xf32, #tpu.memory_space<hbm>> -> memref<64x128xf32, #tpu.memory_space<hbm>>
    tpu.enqueue_dma source(%dma_start3A_83 : memref<64x128xf32, #tpu.memory_space<hbm>>) target(%arg14 : memref<64x128xf32, #tpu.memory_space<vmem>>) target_semaphore(%arg22 : memref<!tpu.dma_semaphore, #tpu.memory_space<semaphore_mem>>)
    %scan3A = arith.constant 0 : i32
    %scan3A_84 = arith.constant 0 : i32
    %scan3A_85 = arith.constant 16 : i32
    %scan3A_86 = arith.addi %scan3A_84, %scan3A_85 : i32
    %scan3A_87 = arith.constant 1 : i32
    scf.for %scan3A_98 = %scan3A_84 to %scan3A_86 step %scan3A_87  : i32 {
      %mul3A_99 = arith.constant 16 : i32
      %mul3A_100 = arith.muli %scan3A_98, %mul3A_99 : i32
      %get3A_101 = arith.index_cast %mul3A_100 : i32 to index
      %get3A_102 = tpu.vector_load %arg5[%get3A_101] {strides = array<i32>} : memref<272xi32, #tpu.memory_space<vmem>>, vector<16xi32>,
      %add3A_103 = arith.constant 16 : i32
      %add3A_104 = arith.addi %mul3A_100, %add3A_103 : i32
      %get3A_105 = arith.index_cast %add3A_104 : i32 to index
      %get3A_106 = tpu.vector_load %arg5[%get3A_105] {strides = array<i32>} : memref<272xi32, #tpu.memory_space<vmem>>, vector<16xi32>,
      %add3A_107 = arith.constant 0 : i32
      %add3A_108 = arith.addi %mul3A_100, %add3A_107 : i32
      %dma_wait3A_109 = arith.constant 0 : i32
      %dma_wait3A_110 = arith.constant 0 : i32
      %dma_wait3A_111 = tpu.memref_slice %arg3[%dma_wait3A_109, %dma_wait3A_110] : memref<64x1000000xf32, #tpu.memory_space<hbm>> -> memref<64x128xf32, #tpu.memory_space<hbm>>
      %dma_wait3A_112 = arith.constant 0 : i32
      %dma_wait3A_113 = arith.constant 0 : i32
      %dma_wait3A_114 = tpu.memref_slice %arg3[%dma_wait3A_112, %dma_wait3A_113] : memref<64x1000000xf32, #tpu.memory_space<hbm>> -> memref<64x128xf32, #tpu.memory_space<hbm>>
      tpu.wait_dma2 semaphore(%arg15 : memref<!tpu.dma_semaphore, #tpu.memory_space<semaphore_mem>>) src(%dma_wait3A_114 : memref<64x128xf32, #tpu.memory_space<hbm>>) dst(%arg7 : memref<64x128xf32, #tpu.memory_space<vmem>>)
      %slice3A_115 = vector.extract_strided_slice %get3A_102 {offsets = [0], sizes = [1], strides = [1]} : vector<16xi32> to vector<1xi32>
      %squeeze3A_116 = vector.extract %slice3A_115[0] : i32 from vector<1xi32>
      %and3A = arith.constant 127 : i32
      %and3A_117 = arith.andi %squeeze3A_116, %and3A : i32
      %broadcast_in_dim3A = vector.broadcast %and3A_117 : i32 to vector<16xi32>
      %add3A_118 = arith.constant 0 : i32
      %add3A_119 = vector.broadcast %add3A_118 : i32 to vector<16xi32>
      %add3A_120 = arith.addi %add3A_119, %iota3A : vector<16xi32>
      %gather3A = tpu.vector_load_idx %arg7[%add3A_120, %broadcast_in_dim3A] : memref<64x128xf32, #tpu.memory_space<vmem>>[vector<16xi32>, vector<16xi32>], vector<16xf32>,
      %mul3A_121 = arith.constant 8.000000e+00 : f32
      %mul3A_122 = vector.broadcast %mul3A_121 : f32 to vector<16xf32>
      %mul3A_123 = arith.mulf %gather3A, %mul3A_122 : vector<16xf32>
      %swap3A = arith.index_cast %add3A_108 : i32 to index
      %swap3A_124 = arith.constant 0 : index
      %swap3A_125 = tpu.vector_load %arg6[%swap3A, %swap3A_124] {strides = array<i32>} : memref<256x128xf32, #tpu.memory_space<vmem>>, vector<16xf32>,
      tpu.vector_store %arg6[%swap3A, %swap3A_124], %mul3A_123 {strides = array<i32>} : memref<256x128xf32, #tpu.memory_space<vmem>>, vector<16xf32>,
      %add3A_126 = arith.constant 16 : i32
      %add3A_127 = vector.broadcast %add3A_126 : i32 to vector<16xi32>
      %add3A_128 = arith.addi %add3A_127, %iota3A : vector<16xi32>
      %gather3A_129 = tpu.vector_load_idx %arg7[%add3A_128, %broadcast_in_dim3A] : memref<64x128xf32, #tpu.memory_space<vmem>>[vector<16xi32>, vector<16xi32>], vector<16xf32>,
      %mul3A_130 = arith.constant 8.000000e+00 : f32
      %mul3A_131 = vector.broadcast %mul3A_130 : f32 to vector<16xf32>
      %mul3A_132 = arith.mulf %gather3A_129, %mul3A_131 : vector<16xf32>
      %swap3A_133 = arith.index_cast %add3A_108 : i32 to index
      %swap3A_134 = arith.constant 16 : index
      %swap3A_135 = tpu.vector_load %arg6[%swap3A_133, %swap3A_134] {strides = array<i32>} : memref<256x128xf32, #tpu.memory_space<vmem>>, vector<16xf32>,
      tpu.vector_store %arg6[%swap3A_133, %swap3A_134], %mul3A_132 {strides = array<i32>} : memref<256x128xf32, #tpu.memory_space<vmem>>, vector<16xf32>,
      %add3A_136 = arith.constant 32 : i32
      %add3A_137 = vector.broadcast %add3A_136 : i32 to vector<16xi32>
      %add3A_138 = arith.addi %add3A_137, %iota3A : vector<16xi32>
      %gather3A_139 = tpu.vector_load_idx %arg7[%add3A_138, %broadcast_in_dim3A] : memref<64x128xf32, #tpu.memory_space<vmem>>[vector<16xi32>, vector<16xi32>], vector<16xf32>,
      %mul3A_140 = arith.constant 8.000000e+00 : f32
      %mul3A_141 = vector.broadcast %mul3A_140 : f32 to vector<16xf32>
      %mul3A_142 = arith.mulf %gather3A_139, %mul3A_141 : vector<16xf32>
      %swap3A_143 = arith.index_cast %add3A_108 : i32 to index
      %swap3A_144 = arith.constant 32 : index
      %swap3A_145 = tpu.vector_load %arg6[%swap3A_143, %swap3A_144] {strides = array<i32>} : memref<256x128xf32, #tpu.memory_space<vmem>>, vector<16xf32>,
      tpu.vector_store %arg6[%swap3A_143, %swap3A_144], %mul3A_142 {strides = array<i32>} : memref<256x128xf32, #tpu.memory_space<vmem>>, vector<16xf32>,
      %add3A_146 = arith.constant 48 : i32
      %add3A_147 = vector.broadcast %add3A_146 : i32 to vector<16xi32>
      %add3A_148 = arith.addi %add3A_147, %iota3A : vector<16xi32>
      %gather3A_149 = tpu.vector_load_idx %arg7[%add3A_148, %broadcast_in_dim3A] : memref<64x128xf32, #tpu.memory_space<vmem>>[vector<16xi32>, vector<16xi32>], vector<16xf32>,
      %mul3A_150 = arith.constant 8.000000e+00 : f32
      %mul3A_151 = vector.broadcast %mul3A_150 : f32 to vector<16xf32>
      %mul3A_152 = arith.mulf %gather3A_149, %mul3A_151 : vector<16xf32>
      %swap3A_153 = arith.index_cast %add3A_108 : i32 to index
      %swap3A_154 = arith.constant 48 : index
      %swap3A_155 = tpu.vector_load %arg6[%swap3A_153, %swap3A_154] {strides = array<i32>} : memref<256x128xf32, #tpu.memory_space<vmem>>, vector<16xf32>,
      tpu.vector_store %arg6[%swap3A_153, %swap3A_154], %mul3A_152 {strides = array<i32>} : memref<256x128xf32, #tpu.memory_space<vmem>>, vector<16xf32>,
      %slice3A_156 = vector.extract_strided_slice %get3A_102 {offsets = [8], sizes = [1], strides = [1]} : vector<16xi32> to vector<1xi32>
      %squeeze3A_157 = vector.extract %slice3A_156[0] : i32 from vector<1xi32>
      %add3A_158 = arith.constant 8 : i32
      %add3A_159 = arith.addi %add3A_108, %add3A_158 : i32
      %lt3A = arith.constant 256 : i32
      %lt3A_160 = arith.cmpi slt, %add3A_159, %lt3A : i32
      %convert_element_type3A = arith.extui %lt3A_160 : i1 to i32
      %cond3A = arith.constant 0 : i32
      %cond3A_161 = arith.cmpi ne, %convert_element_type3A, %cond3A : i32
      scf.if %cond3A_161 {
        %shift_right_arithmetic3A_1092 = arith.constant 7 : i32
        %shift_right_arithmetic3A_1093 = arith.shrsi %squeeze3A_157, %shift_right_arithmetic3A_1092 : i32
        %shift_left3A_1094 = arith.constant 7 : i32
        %shift_left3A_1095 = arith.shli %shift_right_arithmetic3A_1093, %shift_left3A_1094 : i32
        %multiple_of3A_1096 = tpu.assume_multiple %shift_left3A_1095, 128 : i32
        %dma_start3A_1097 = arith.constant 0 : i32
        %dma_start3A_1098 = tpu.memref_slice %arg3[%dma_start3A_1097, %multiple_of3A_1096] : memref<64x1000000xf32, #tpu.memory_space<hbm>> -> memref<64x128xf32, #tpu.memory_space<hbm>>
        %dma_start3A_1099 = arith.constant 0 : i32
        %dma_start3A_1100 = tpu.memref_slice %arg3[%dma_start3A_1099, %multiple_of3A_1096] : memref<64x1000000xf32, #tpu.memory_space<hbm>> -> memref<64x128xf32, #tpu.memory_space<hbm>>
        tpu.enqueue_dma source(%dma_start3A_1100 : memref<64x128xf32, #tpu.memory_space<hbm>>) target(%arg7 : memref<64x128xf32, #tpu.memory_space<vmem>>) target_semaphore(%arg15 : memref<!tpu.dma_semaphore, #tpu.memory_space<semaphore_mem>>)
      } else {
      }
      %add3A_162 = arith.constant 1 : i32
      %add3A_163 = arith.addi %mul3A_100, %add3A_162 : i32
      %dma_wait3A_164 = arith.constant 0 : i32
      %dma_wait3A_165 = arith.constant 0 : i32
      %dma_wait3A_166 = tpu.memref_slice %arg3[%dma_wait3A_164, %dma_wait3A_165] : memref<64x1000000xf32, #tpu.memory_space<hbm>> -> memref<64x128xf32, #tpu.memory_space<hbm>>
      %dma_wait3A_167 = arith.constant 0 : i32
      %dma_wait3A_168 = arith.constant 0 : i32
      %dma_wait3A_169 = tpu.memref_slice %arg3[%dma_wait3A_167, %dma_wait3A_168] : memref<64x1000000xf32, #tpu.memory_space<hbm>> -> memref<64x128xf32, #tpu.memory_space<hbm>>
      tpu.wait_dma2 semaphore(%arg16 : memref<!tpu.dma_semaphore, #tpu.memory_space<semaphore_mem>>) src(%dma_wait3A_169 : memref<64x128xf32, #tpu.memory_space<hbm>>) dst(%arg8 : memref<64x128xf32, #tpu.memory_space<vmem>>)
      %slice3A_170 = vector.extract_strided_slice %get3A_102 {offsets = [1], sizes = [1], strides = [1]} : vector<16xi32> to vector<1xi32>
      %squeeze3A_171 = vector.extract %slice3A_170[0] : i32 from vector<1xi32>
      %and3A_172 = arith.constant 127 : i32
      %and3A_173 = arith.andi %squeeze3A_171, %and3A_172 : i32
      %broadcast_in_dim3A_174 = vector.broadcast %and3A_173 : i32 to vector<16xi32>
      %add3A_175 = arith.constant 0 : i32
      %add3A_176 = vector.broadcast %add3A_175 : i32 to vector<16xi32>
      %add3A_177 = arith.addi %add3A_176, %iota3A : vector<16xi32>
      %gather3A_178 = tpu.vector_load_idx %arg8[%add3A_177, %broadcast_in_dim3A_174] : memref<64x128xf32, #tpu.memory_space<vmem>>[vector<16xi32>, vector<16xi32>], vector<16xf32>,
      %mul3A_179 = arith.constant 8.000000e+00 : f32
      %mul3A_180 = vector.broadcast %mul3A_179 : f32 to vector<16xf32>
      %mul3A_181 = arith.mulf %gather3A_178, %mul3A_180 : vector<16xf32>
      %swap3A_182 = arith.index_cast %add3A_163 : i32 to index
      %swap3A_183 = arith.constant 0 : index
      %swap3A_184 = tpu.vector_load %arg6[%swap3A_182, %swap3A_183] {strides = array<i32>} : memref<256x128xf32, #tpu.memory_space<vmem>>, vector<16xf32>,
      tpu.vector_store %arg6[%swap3A_182, %swap3A_183], %mul3A_181 {strides = array<i32>} : memref<256x128xf32, #tpu.memory_space<vmem>>, vector<16xf32>,
      %add3A_185 = arith.constant 16 : i32
      %add3A_186 = vector.broadcast %add3A_185 : i32 to vector<16xi32>
      %add3A_187 = arith.addi %add3A_186, %iota3A : vector<16xi32>
      %gather3A_188 = tpu.vector_load_idx %arg8[%add3A_187, %broadcast_in_dim3A_174] : memref<64x128xf32, #tpu.memory_space<vmem>>[vector<16xi32>, vector<16xi32>], vector<16xf32>,
      %mul3A_189 = arith.constant 8.000000e+00 : f32
      %mul3A_190 = vector.broadcast %mul3A_189 : f32 to vector<16xf32>
      %mul3A_191 = arith.mulf %gather3A_188, %mul3A_190 : vector<16xf32>
      %swap3A_192 = arith.index_cast %add3A_163 : i32 to index
      %swap3A_193 = arith.constant 16 : index
      %swap3A_194 = tpu.vector_load %arg6[%swap3A_192, %swap3A_193] {strides = array<i32>} : memref<256x128xf32, #tpu.memory_space<vmem>>, vector<16xf32>,
      tpu.vector_store %arg6[%swap3A_192, %swap3A_193], %mul3A_191 {strides = array<i32>} : memref<256x128xf32, #tpu.memory_space<vmem>>, vector<16xf32>,
      %add3A_195 = arith.constant 32 : i32
      %add3A_196 = vector.broadcast %add3A_195 : i32 to vector<16xi32>
      %add3A_197 = arith.addi %add3A_196, %iota3A : vector<16xi32>
      %gather3A_198 = tpu.vector_load_idx %arg8[%add3A_197, %broadcast_in_dim3A_174] : memref<64x128xf32, #tpu.memory_space<vmem>>[vector<16xi32>, vector<16xi32>], vector<16xf32>,
      %mul3A_199 = arith.constant 8.000000e+00 : f32
      %mul3A_200 = vector.broadcast %mul3A_199 : f32 to vector<16xf32>
      %mul3A_201 = arith.mulf %gather3A_198, %mul3A_200 : vector<16xf32>
      %swap3A_202 = arith.index_cast %add3A_163 : i32 to index
      %swap3A_203 = arith.constant 32 : index
      %swap3A_204 = tpu.vector_load %arg6[%swap3A_202, %swap3A_203] {strides = array<i32>} : memref<256x128xf32, #tpu.memory_space<vmem>>, vector<16xf32>,
      tpu.vector_store %arg6[%swap3A_202, %swap3A_203], %mul3A_201 {strides = array<i32>} : memref<256x128xf32, #tpu.memory_space<vmem>>, vector<16xf32>,
      %add3A_205 = arith.constant 48 : i32
      %add3A_206 = vector.broadcast %add3A_205 : i32 to vector<16xi32>
      %add3A_207 = arith.addi %add3A_206, %iota3A : vector<16xi32>
      %gather3A_208 = tpu.vector_load_idx %arg8[%add3A_207, %broadcast_in_dim3A_174] : memref<64x128xf32, #tpu.memory_space<vmem>>[vector<16xi32>, vector<16xi32>], vector<16xf32>,
      %mul3A_209 = arith.constant 8.000000e+00 : f32
      %mul3A_210 = vector.broadcast %mul3A_209 : f32 to vector<16xf32>
      %mul3A_211 = arith.mulf %gather3A_208, %mul3A_210 : vector<16xf32>
      %swap3A_212 = arith.index_cast %add3A_163 : i32 to index
      %swap3A_213 = arith.constant 48 : index
      %swap3A_214 = tpu.vector_load %arg6[%swap3A_212, %swap3A_213] {strides = array<i32>} : memref<256x128xf32, #tpu.memory_space<vmem>>, vector<16xf32>,
      tpu.vector_store %arg6[%swap3A_212, %swap3A_213], %mul3A_211 {strides = array<i32>} : memref<256x128xf32, #tpu.memory_space<vmem>>, vector<16xf32>,
      %slice3A_215 = vector.extract_strided_slice %get3A_102 {offsets = [9], sizes = [1], strides = [1]} : vector<16xi32> to vector<1xi32>
      %squeeze3A_216 = vector.extract %slice3A_215[0] : i32 from vector<1xi32>
      %add3A_217 = arith.constant 8 : i32
      %add3A_218 = arith.addi %add3A_163, %add3A_217 : i32
      %lt3A_219 = arith.constant 256 : i32
      %lt3A_220 = arith.cmpi slt, %add3A_218, %lt3A_219 : i32
      %convert_element_type3A_221 = arith.extui %lt3A_220 : i1 to i32
      %cond3A_222 = arith.constant 0 : i32
      %cond3A_223 = arith.cmpi ne, %convert_element_type3A_221, %cond3A_222 : i32
      scf.if %cond3A_223 {
        %shift_right_arithmetic3A_1092 = arith.constant 7 : i32
        %shift_right_arithmetic3A_1093 = arith.shrsi %squeeze3A_216, %shift_right_arithmetic3A_1092 : i32
        %shift_left3A_1094 = arith.constant 7 : i32
        %shift_left3A_1095 = arith.shli %shift_right_arithmetic3A_1093, %shift_left3A_1094 : i32
        %multiple_of3A_1096 = tpu.assume_multiple %shift_left3A_1095, 128 : i32
        %dma_start3A_1097 = arith.constant 0 : i32
        %dma_start3A_1098 = tpu.memref_slice %arg3[%dma_start3A_1097, %multiple_of3A_1096] : memref<64x1000000xf32, #tpu.memory_space<hbm>> -> memref<64x128xf32, #tpu.memory_space<hbm>>
        %dma_start3A_1099 = arith.constant 0 : i32
        %dma_start3A_1100 = tpu.memref_slice %arg3[%dma_start3A_1099, %multiple_of3A_1096] : memref<64x1000000xf32, #tpu.memory_space<hbm>> -> memref<64x128xf32, #tpu.memory_space<hbm>>
        tpu.enqueue_dma source(%dma_start3A_1100 : memref<64x128xf32, #tpu.memory_space<hbm>>) target(%arg8 : memref<64x128xf32, #tpu.memory_space<vmem>>) target_semaphore(%arg16 : memref<!tpu.dma_semaphore, #tpu.memory_space<semaphore_mem>>)
      } else {
      }
      %add3A_224 = arith.constant 2 : i32
      %add3A_225 = arith.addi %mul3A_100, %add3A_224 : i32
      %dma_wait3A_226 = arith.constant 0 : i32
      %dma_wait3A_227 = arith.constant 0 : i32
      %dma_wait3A_228 = tpu.memref_slice %arg3[%dma_wait3A_226, %dma_wait3A_227] : memref<64x1000000xf32, #tpu.memory_space<hbm>> -> memref<64x128xf32, #tpu.memory_space<hbm>>
      %dma_wait3A_229 = arith.constant 0 : i32
      %dma_wait3A_230 = arith.constant 0 : i32
      %dma_wait3A_231 = tpu.memref_slice %arg3[%dma_wait3A_229, %dma_wait3A_230] : memref<64x1000000xf32, #tpu.memory_space<hbm>> -> memref<64x128xf32, #tpu.memory_space<hbm>>
      tpu.wait_dma2 semaphore(%arg17 : memref<!tpu.dma_semaphore, #tpu.memory_space<semaphore_mem>>) src(%dma_wait3A_231 : memref<64x128xf32, #tpu.memory_space<hbm>>) dst(%arg9 : memref<64x128xf32, #tpu.memory_space<vmem>>)
      %slice3A_232 = vector.extract_strided_slice %get3A_102 {offsets = [2], sizes = [1], strides = [1]} : vector<16xi32> to vector<1xi32>
      %squeeze3A_233 = vector.extract %slice3A_232[0] : i32 from vector<1xi32>
      %and3A_234 = arith.constant 127 : i32
      %and3A_235 = arith.andi %squeeze3A_233, %and3A_234 : i32
      %broadcast_in_dim3A_236 = vector.broadcast %and3A_235 : i32 to vector<16xi32>
      %add3A_237 = arith.constant 0 : i32
      %add3A_238 = vector.broadcast %add3A_237 : i32 to vector<16xi32>
      %add3A_239 = arith.addi %add3A_238, %iota3A : vector<16xi32>
      %gather3A_240 = tpu.vector_load_idx %arg9[%add3A_239, %broadcast_in_dim3A_236] : memref<64x128xf32, #tpu.memory_space<vmem>>[vector<16xi32>, vector<16xi32>], vector<16xf32>,
      %mul3A_241 = arith.constant 8.000000e+00 : f32
      %mul3A_242 = vector.broadcast %mul3A_241 : f32 to vector<16xf32>
      %mul3A_243 = arith.mulf %gather3A_240, %mul3A_242 : vector<16xf32>
      %swap3A_244 = arith.index_cast %add3A_225 : i32 to index
      %swap3A_245 = arith.constant 0 : index
      %swap3A_246 = tpu.vector_load %arg6[%swap3A_244, %swap3A_245] {strides = array<i32>} : memref<256x128xf32, #tpu.memory_space<vmem>>, vector<16xf32>,
      tpu.vector_store %arg6[%swap3A_244, %swap3A_245], %mul3A_243 {strides = array<i32>} : memref<256x128xf32, #tpu.memory_space<vmem>>, vector<16xf32>,
      %add3A_247 = arith.constant 16 : i32
      %add3A_248 = vector.broadcast %add3A_247 : i32 to vector<16xi32>
      %add3A_249 = arith.addi %add3A_248, %iota3A : vector<16xi32>
      %gather3A_250 = tpu.vector_load_idx %arg9[%add3A_249, %broadcast_in_dim3A_236] : memref<64x128xf32, #tpu.memory_space<vmem>>[vector<16xi32>, vector<16xi32>], vector<16xf32>,
      %mul3A_251 = arith.constant 8.000000e+00 : f32
      %mul3A_252 = vector.broadcast %mul3A_251 : f32 to vector<16xf32>
      %mul3A_253 = arith.mulf %gather3A_250, %mul3A_252 : vector<16xf32>
      %swap3A_254 = arith.index_cast %add3A_225 : i32 to index
      %swap3A_255 = arith.constant 16 : index
      %swap3A_256 = tpu.vector_load %arg6[%swap3A_254, %swap3A_255] {strides = array<i32>} : memref<256x128xf32, #tpu.memory_space<vmem>>, vector<16xf32>,
      tpu.vector_store %arg6[%swap3A_254, %swap3A_255], %mul3A_253 {strides = array<i32>} : memref<256x128xf32, #tpu.memory_space<vmem>>, vector<16xf32>,
      %add3A_257 = arith.constant 32 : i32
      %add3A_258 = vector.broadcast %add3A_257 : i32 to vector<16xi32>
      %add3A_259 = arith.addi %add3A_258, %iota3A : vector<16xi32>
      %gather3A_260 = tpu.vector_load_idx %arg9[%add3A_259, %broadcast_in_dim3A_236] : memref<64x128xf32, #tpu.memory_space<vmem>>[vector<16xi32>, vector<16xi32>], vector<16xf32>,
      %mul3A_261 = arith.constant 8.000000e+00 : f32
      %mul3A_262 = vector.broadcast %mul3A_261 : f32 to vector<16xf32>
      %mul3A_263 = arith.mulf %gather3A_260, %mul3A_262 : vector<16xf32>
      %swap3A_264 = arith.index_cast %add3A_225 : i32 to index
      %swap3A_265 = arith.constant 32 : index
      %swap3A_266 = tpu.vector_load %arg6[%swap3A_264, %swap3A_265] {strides = array<i32>} : memref<256x128xf32, #tpu.memory_space<vmem>>, vector<16xf32>,
      tpu.vector_store %arg6[%swap3A_264, %swap3A_265], %mul3A_263 {strides = array<i32>} : memref<256x128xf32, #tpu.memory_space<vmem>>, vector<16xf32>,
      %add3A_267 = arith.constant 48 : i32
      %add3A_268 = vector.broadcast %add3A_267 : i32 to vector<16xi32>
      %add3A_269 = arith.addi %add3A_268, %iota3A : vector<16xi32>
      %gather3A_270 = tpu.vector_load_idx %arg9[%add3A_269, %broadcast_in_dim3A_236] : memref<64x128xf32, #tpu.memory_space<vmem>>[vector<16xi32>, vector<16xi32>], vector<16xf32>,
      %mul3A_271 = arith.constant 8.000000e+00 : f32
      %mul3A_272 = vector.broadcast %mul3A_271 : f32 to vector<16xf32>
      %mul3A_273 = arith.mulf %gather3A_270, %mul3A_272 : vector<16xf32>
      %swap3A_274 = arith.index_cast %add3A_225 : i32 to index
      %swap3A_275 = arith.constant 48 : index
      %swap3A_276 = tpu.vector_load %arg6[%swap3A_274, %swap3A_275] {strides = array<i32>} : memref<256x128xf32, #tpu.memory_space<vmem>>, vector<16xf32>,
      tpu.vector_store %arg6[%swap3A_274, %swap3A_275], %mul3A_273 {strides = array<i32>} : memref<256x128xf32, #tpu.memory_space<vmem>>, vector<16xf32>,
      %slice3A_277 = vector.extract_strided_slice %get3A_102 {offsets = [10], sizes = [1], strides = [1]} : vector<16xi32> to vector<1xi32>
      %squeeze3A_278 = vector.extract %slice3A_277[0] : i32 from vector<1xi32>
      %add3A_279 = arith.constant 8 : i32
      %add3A_280 = arith.addi %add3A_225, %add3A_279 : i32
      %lt3A_281 = arith.constant 256 : i32
      %lt3A_282 = arith.cmpi slt, %add3A_280, %lt3A_281 : i32
      %convert_element_type3A_283 = arith.extui %lt3A_282 : i1 to i32
      %cond3A_284 = arith.constant 0 : i32
      %cond3A_285 = arith.cmpi ne, %convert_element_type3A_283, %cond3A_284 : i32
      scf.if %cond3A_285 {
        %shift_right_arithmetic3A_1092 = arith.constant 7 : i32
        %shift_right_arithmetic3A_1093 = arith.shrsi %squeeze3A_278, %shift_right_arithmetic3A_1092 : i32
        %shift_left3A_1094 = arith.constant 7 : i32
        %shift_left3A_1095 = arith.shli %shift_right_arithmetic3A_1093, %shift_left3A_1094 : i32
        %multiple_of3A_1096 = tpu.assume_multiple %shift_left3A_1095, 128 : i32
        %dma_start3A_1097 = arith.constant 0 : i32
        %dma_start3A_1098 = tpu.memref_slice %arg3[%dma_start3A_1097, %multiple_of3A_1096] : memref<64x1000000xf32, #tpu.memory_space<hbm>> -> memref<64x128xf32, #tpu.memory_space<hbm>>
        %dma_start3A_1099 = arith.constant 0 : i32
        %dma_start3A_1100 = tpu.memref_slice %arg3[%dma_start3A_1099, %multiple_of3A_1096] : memref<64x1000000xf32, #tpu.memory_space<hbm>> -> memref<64x128xf32, #tpu.memory_space<hbm>>
        tpu.enqueue_dma source(%dma_start3A_1100 : memref<64x128xf32, #tpu.memory_space<hbm>>) target(%arg9 : memref<64x128xf32, #tpu.memory_space<vmem>>) target_semaphore(%arg17 : memref<!tpu.dma_semaphore, #tpu.memory_space<semaphore_mem>>)
      } else {
      }
      %add3A_286 = arith.constant 3 : i32
      %add3A_287 = arith.addi %mul3A_100, %add3A_286 : i32
      %dma_wait3A_288 = arith.constant 0 : i32
      %dma_wait3A_289 = arith.constant 0 : i32
      %dma_wait3A_290 = tpu.memref_slice %arg3[%dma_wait3A_288, %dma_wait3A_289] : memref<64x1000000xf32, #tpu.memory_space<hbm>> -> memref<64x128xf32, #tpu.memory_space<hbm>>
      %dma_wait3A_291 = arith.constant 0 : i32
      %dma_wait3A_292 = arith.constant 0 : i32
      %dma_wait3A_293 = tpu.memref_slice %arg3[%dma_wait3A_291, %dma_wait3A_292] : memref<64x1000000xf32, #tpu.memory_space<hbm>> -> memref<64x128xf32, #tpu.memory_space<hbm>>
      tpu.wait_dma2 semaphore(%arg18 : memref<!tpu.dma_semaphore, #tpu.memory_space<semaphore_mem>>) src(%dma_wait3A_293 : memref<64x128xf32, #tpu.memory_space<hbm>>) dst(%arg10 : memref<64x128xf32, #tpu.memory_space<vmem>>)
      %slice3A_294 = vector.extract_strided_slice %get3A_102 {offsets = [3], sizes = [1], strides = [1]} : vector<16xi32> to vector<1xi32>
      %squeeze3A_295 = vector.extract %slice3A_294[0] : i32 from vector<1xi32>
      %and3A_296 = arith.constant 127 : i32
      %and3A_297 = arith.andi %squeeze3A_295, %and3A_296 : i32
      %broadcast_in_dim3A_298 = vector.broadcast %and3A_297 : i32 to vector<16xi32>
      %add3A_299 = arith.constant 0 : i32
      %add3A_300 = vector.broadcast %add3A_299 : i32 to vector<16xi32>
      %add3A_301 = arith.addi %add3A_300, %iota3A : vector<16xi32>
      %gather3A_302 = tpu.vector_load_idx %arg10[%add3A_301, %broadcast_in_dim3A_298] : memref<64x128xf32, #tpu.memory_space<vmem>>[vector<16xi32>, vector<16xi32>], vector<16xf32>,
      %mul3A_303 = arith.constant 8.000000e+00 : f32
      %mul3A_304 = vector.broadcast %mul3A_303 : f32 to vector<16xf32>
      %mul3A_305 = arith.mulf %gather3A_302, %mul3A_304 : vector<16xf32>
      %swap3A_306 = arith.index_cast %add3A_287 : i32 to index
      %swap3A_307 = arith.constant 0 : index
      %swap3A_308 = tpu.vector_load %arg6[%swap3A_306, %swap3A_307] {strides = array<i32>} : memref<256x128xf32, #tpu.memory_space<vmem>>, vector<16xf32>,
      tpu.vector_store %arg6[%swap3A_306, %swap3A_307], %mul3A_305 {strides = array<i32>} : memref<256x128xf32, #tpu.memory_space<vmem>>, vector<16xf32>,
      %add3A_309 = arith.constant 16 : i32
      %add3A_310 = vector.broadcast %add3A_309 : i32 to vector<16xi32>
      %add3A_311 = arith.addi %add3A_310, %iota3A : vector<16xi32>
      %gather3A_312 = tpu.vector_load_idx %arg10[%add3A_311, %broadcast_in_dim3A_298] : memref<64x128xf32, #tpu.memory_space<vmem>>[vector<16xi32>, vector<16xi32>], vector<16xf32>,
      %mul3A_313 = arith.constant 8.000000e+00 : f32
      %mul3A_314 = vector.broadcast %mul3A_313 : f32 to vector<16xf32>
      %mul3A_315 = arith.mulf %gather3A_312, %mul3A_314 : vector<16xf32>
      %swap3A_316 = arith.index_cast %add3A_287 : i32 to index
      %swap3A_317 = arith.constant 16 : index
      %swap3A_318 = tpu.vector_load %arg6[%swap3A_316, %swap3A_317] {strides = array<i32>} : memref<256x128xf32, #tpu.memory_space<vmem>>, vector<16xf32>,
      tpu.vector_store %arg6[%swap3A_316, %swap3A_317], %mul3A_315 {strides = array<i32>} : memref<256x128xf32, #tpu.memory_space<vmem>>, vector<16xf32>,
      %add3A_319 = arith.constant 32 : i32
      %add3A_320 = vector.broadcast %add3A_319 : i32 to vector<16xi32>
      %add3A_321 = arith.addi %add3A_320, %iota3A : vector<16xi32>
      %gather3A_322 = tpu.vector_load_idx %arg10[%add3A_321, %broadcast_in_dim3A_298] : memref<64x128xf32, #tpu.memory_space<vmem>>[vector<16xi32>, vector<16xi32>], vector<16xf32>,
      %mul3A_323 = arith.constant 8.000000e+00 : f32
      %mul3A_324 = vector.broadcast %mul3A_323 : f32 to vector<16xf32>
      %mul3A_325 = arith.mulf %gather3A_322, %mul3A_324 : vector<16xf32>
      %swap3A_326 = arith.index_cast %add3A_287 : i32 to index
      %swap3A_327 = arith.constant 32 : index
      %swap3A_328 = tpu.vector_load %arg6[%swap3A_326, %swap3A_327] {strides = array<i32>} : memref<256x128xf32, #tpu.memory_space<vmem>>, vector<16xf32>,
      tpu.vector_store %arg6[%swap3A_326, %swap3A_327], %mul3A_325 {strides = array<i32>} : memref<256x128xf32, #tpu.memory_space<vmem>>, vector<16xf32>,
      %add3A_329 = arith.constant 48 : i32
      %add3A_330 = vector.broadcast %add3A_329 : i32 to vector<16xi32>
      %add3A_331 = arith.addi %add3A_330, %iota3A : vector<16xi32>
      %gather3A_332 = tpu.vector_load_idx %arg10[%add3A_331, %broadcast_in_dim3A_298] : memref<64x128xf32, #tpu.memory_space<vmem>>[vector<16xi32>, vector<16xi32>], vector<16xf32>,
      %mul3A_333 = arith.constant 8.000000e+00 : f32
      %mul3A_334 = vector.broadcast %mul3A_333 : f32 to vector<16xf32>
      %mul3A_335 = arith.mulf %gather3A_332, %mul3A_334 : vector<16xf32>
      %swap3A_336 = arith.index_cast %add3A_287 : i32 to index
      %swap3A_337 = arith.constant 48 : index
      %swap3A_338 = tpu.vector_load %arg6[%swap3A_336, %swap3A_337] {strides = array<i32>} : memref<256x128xf32, #tpu.memory_space<vmem>>, vector<16xf32>,
      tpu.vector_store %arg6[%swap3A_336, %swap3A_337], %mul3A_335 {strides = array<i32>} : memref<256x128xf32, #tpu.memory_space<vmem>>, vector<16xf32>,
      %slice3A_339 = vector.extract_strided_slice %get3A_102 {offsets = [11], sizes = [1], strides = [1]} : vector<16xi32> to vector<1xi32>
      %squeeze3A_340 = vector.extract %slice3A_339[0] : i32 from vector<1xi32>
      %add3A_341 = arith.constant 8 : i32
      %add3A_342 = arith.addi %add3A_287, %add3A_341 : i32
      %lt3A_343 = arith.constant 256 : i32
      %lt3A_344 = arith.cmpi slt, %add3A_342, %lt3A_343 : i32
      %convert_element_type3A_345 = arith.extui %lt3A_344 : i1 to i32
      %cond3A_346 = arith.constant 0 : i32
      %cond3A_347 = arith.cmpi ne, %convert_element_type3A_345, %cond3A_346 : i32
      scf.if %cond3A_347 {
        %shift_right_arithmetic3A_1092 = arith.constant 7 : i32
        %shift_right_arithmetic3A_1093 = arith.shrsi %squeeze3A_340, %shift_right_arithmetic3A_1092 : i32
        %shift_left3A_1094 = arith.constant 7 : i32
        %shift_left3A_1095 = arith.shli %shift_right_arithmetic3A_1093, %shift_left3A_1094 : i32
        %multiple_of3A_1096 = tpu.assume_multiple %shift_left3A_1095, 128 : i32
        %dma_start3A_1097 = arith.constant 0 : i32
        %dma_start3A_1098 = tpu.memref_slice %arg3[%dma_start3A_1097, %multiple_of3A_1096] : memref<64x1000000xf32, #tpu.memory_space<hbm>> -> memref<64x128xf32, #tpu.memory_space<hbm>>
        %dma_start3A_1099 = arith.constant 0 : i32
        %dma_start3A_1100 = tpu.memref_slice %arg3[%dma_start3A_1099, %multiple_of3A_1096] : memref<64x1000000xf32, #tpu.memory_space<hbm>> -> memref<64x128xf32, #tpu.memory_space<hbm>>
        tpu.enqueue_dma source(%dma_start3A_1100 : memref<64x128xf32, #tpu.memory_space<hbm>>) target(%arg10 : memref<64x128xf32, #tpu.memory_space<vmem>>) target_semaphore(%arg18 : memref<!tpu.dma_semaphore, #tpu.memory_space<semaphore_mem>>)
      } else {
      }
      %add3A_348 = arith.constant 4 : i32
      %add3A_349 = arith.addi %mul3A_100, %add3A_348 : i32
      %dma_wait3A_350 = arith.constant 0 : i32
      %dma_wait3A_351 = arith.constant 0 : i32
      %dma_wait3A_352 = tpu.memref_slice %arg3[%dma_wait3A_350, %dma_wait3A_351] : memref<64x1000000xf32, #tpu.memory_space<hbm>> -> memref<64x128xf32, #tpu.memory_space<hbm>>
      %dma_wait3A_353 = arith.constant 0 : i32
      %dma_wait3A_354 = arith.constant 0 : i32
      %dma_wait3A_355 = tpu.memref_slice %arg3[%dma_wait3A_353, %dma_wait3A_354] : memref<64x1000000xf32, #tpu.memory_space<hbm>> -> memref<64x128xf32, #tpu.memory_space<hbm>>
      tpu.wait_dma2 semaphore(%arg19 : memref<!tpu.dma_semaphore, #tpu.memory_space<semaphore_mem>>) src(%dma_wait3A_355 : memref<64x128xf32, #tpu.memory_space<hbm>>) dst(%arg11 : memref<64x128xf32, #tpu.memory_space<vmem>>)
      %slice3A_356 = vector.extract_strided_slice %get3A_102 {offsets = [4], sizes = [1], strides = [1]} : vector<16xi32> to vector<1xi32>
      %squeeze3A_357 = vector.extract %slice3A_356[0] : i32 from vector<1xi32>
      %and3A_358 = arith.constant 127 : i32
      %and3A_359 = arith.andi %squeeze3A_357, %and3A_358 : i32
      %broadcast_in_dim3A_360 = vector.broadcast %and3A_359 : i32 to vector<16xi32>
      %add3A_361 = arith.constant 0 : i32
      %add3A_362 = vector.broadcast %add3A_361 : i32 to vector<16xi32>
      %add3A_363 = arith.addi %add3A_362, %iota3A : vector<16xi32>
      %gather3A_364 = tpu.vector_load_idx %arg11[%add3A_363, %broadcast_in_dim3A_360] : memref<64x128xf32, #tpu.memory_space<vmem>>[vector<16xi32>, vector<16xi32>], vector<16xf32>,
      %mul3A_365 = arith.constant 8.000000e+00 : f32
      %mul3A_366 = vector.broadcast %mul3A_365 : f32 to vector<16xf32>
      %mul3A_367 = arith.mulf %gather3A_364, %mul3A_366 : vector<16xf32>
      %swap3A_368 = arith.index_cast %add3A_349 : i32 to index
      %swap3A_369 = arith.constant 0 : index
      %swap3A_370 = tpu.vector_load %arg6[%swap3A_368, %swap3A_369] {strides = array<i32>} : memref<256x128xf32, #tpu.memory_space<vmem>>, vector<16xf32>,
      tpu.vector_store %arg6[%swap3A_368, %swap3A_369], %mul3A_367 {strides = array<i32>} : memref<256x128xf32, #tpu.memory_space<vmem>>, vector<16xf32>,
      %add3A_371 = arith.constant 16 : i32
      %add3A_372 = vector.broadcast %add3A_371 : i32 to vector<16xi32>
      %add3A_373 = arith.addi %add3A_372, %iota3A : vector<16xi32>
      %gather3A_374 = tpu.vector_load_idx %arg11[%add3A_373, %broadcast_in_dim3A_360] : memref<64x128xf32, #tpu.memory_space<vmem>>[vector<16xi32>, vector<16xi32>], vector<16xf32>,
      %mul3A_375 = arith.constant 8.000000e+00 : f32
      %mul3A_376 = vector.broadcast %mul3A_375 : f32 to vector<16xf32>
      %mul3A_377 = arith.mulf %gather3A_374, %mul3A_376 : vector<16xf32>
      %swap3A_378 = arith.index_cast %add3A_349 : i32 to index
      %swap3A_379 = arith.constant 16 : index
      %swap3A_380 = tpu.vector_load %arg6[%swap3A_378, %swap3A_379] {strides = array<i32>} : memref<256x128xf32, #tpu.memory_space<vmem>>, vector<16xf32>,
      tpu.vector_store %arg6[%swap3A_378, %swap3A_379], %mul3A_377 {strides = array<i32>} : memref<256x128xf32, #tpu.memory_space<vmem>>, vector<16xf32>,
      %add3A_381 = arith.constant 32 : i32
      %add3A_382 = vector.broadcast %add3A_381 : i32 to vector<16xi32>
      %add3A_383 = arith.addi %add3A_382, %iota3A : vector<16xi32>
      %gather3A_384 = tpu.vector_load_idx %arg11[%add3A_383, %broadcast_in_dim3A_360] : memref<64x128xf32, #tpu.memory_space<vmem>>[vector<16xi32>, vector<16xi32>], vector<16xf32>,
      %mul3A_385 = arith.constant 8.000000e+00 : f32
      %mul3A_386 = vector.broadcast %mul3A_385 : f32 to vector<16xf32>
      %mul3A_387 = arith.mulf %gather3A_384, %mul3A_386 : vector<16xf32>
      %swap3A_388 = arith.index_cast %add3A_349 : i32 to index
      %swap3A_389 = arith.constant 32 : index
      %swap3A_390 = tpu.vector_load %arg6[%swap3A_388, %swap3A_389] {strides = array<i32>} : memref<256x128xf32, #tpu.memory_space<vmem>>, vector<16xf32>,
      tpu.vector_store %arg6[%swap3A_388, %swap3A_389], %mul3A_387 {strides = array<i32>} : memref<256x128xf32, #tpu.memory_space<vmem>>, vector<16xf32>,
      %add3A_391 = arith.constant 48 : i32
      %add3A_392 = vector.broadcast %add3A_391 : i32 to vector<16xi32>
      %add3A_393 = arith.addi %add3A_392, %iota3A : vector<16xi32>
      %gather3A_394 = tpu.vector_load_idx %arg11[%add3A_393, %broadcast_in_dim3A_360] : memref<64x128xf32, #tpu.memory_space<vmem>>[vector<16xi32>, vector<16xi32>], vector<16xf32>,
      %mul3A_395 = arith.constant 8.000000e+00 : f32
      %mul3A_396 = vector.broadcast %mul3A_395 : f32 to vector<16xf32>
      %mul3A_397 = arith.mulf %gather3A_394, %mul3A_396 : vector<16xf32>
      %swap3A_398 = arith.index_cast %add3A_349 : i32 to index
      %swap3A_399 = arith.constant 48 : index
      %swap3A_400 = tpu.vector_load %arg6[%swap3A_398, %swap3A_399] {strides = array<i32>} : memref<256x128xf32, #tpu.memory_space<vmem>>, vector<16xf32>,
      tpu.vector_store %arg6[%swap3A_398, %swap3A_399], %mul3A_397 {strides = array<i32>} : memref<256x128xf32, #tpu.memory_space<vmem>>, vector<16xf32>,
      %slice3A_401 = vector.extract_strided_slice %get3A_102 {offsets = [12], sizes = [1], strides = [1]} : vector<16xi32> to vector<1xi32>
      %squeeze3A_402 = vector.extract %slice3A_401[0] : i32 from vector<1xi32>
      %add3A_403 = arith.constant 8 : i32
      %add3A_404 = arith.addi %add3A_349, %add3A_403 : i32
      %lt3A_405 = arith.constant 256 : i32
      %lt3A_406 = arith.cmpi slt, %add3A_404, %lt3A_405 : i32
      %convert_element_type3A_407 = arith.extui %lt3A_406 : i1 to i32
      %cond3A_408 = arith.constant 0 : i32
      %cond3A_409 = arith.cmpi ne, %convert_element_type3A_407, %cond3A_408 : i32
      scf.if %cond3A_409 {
        %shift_right_arithmetic3A_1092 = arith.constant 7 : i32
        %shift_right_arithmetic3A_1093 = arith.shrsi %squeeze3A_402, %shift_right_arithmetic3A_1092 : i32
        %shift_left3A_1094 = arith.constant 7 : i32
        %shift_left3A_1095 = arith.shli %shift_right_arithmetic3A_1093, %shift_left3A_1094 : i32
        %multiple_of3A_1096 = tpu.assume_multiple %shift_left3A_1095, 128 : i32
        %dma_start3A_1097 = arith.constant 0 : i32
        %dma_start3A_1098 = tpu.memref_slice %arg3[%dma_start3A_1097, %multiple_of3A_1096] : memref<64x1000000xf32, #tpu.memory_space<hbm>> -> memref<64x128xf32, #tpu.memory_space<hbm>>
        %dma_start3A_1099 = arith.constant 0 : i32
        %dma_start3A_1100 = tpu.memref_slice %arg3[%dma_start3A_1099, %multiple_of3A_1096] : memref<64x1000000xf32, #tpu.memory_space<hbm>> -> memref<64x128xf32, #tpu.memory_space<hbm>>
        tpu.enqueue_dma source(%dma_start3A_1100 : memref<64x128xf32, #tpu.memory_space<hbm>>) target(%arg11 : memref<64x128xf32, #tpu.memory_space<vmem>>) target_semaphore(%arg19 : memref<!tpu.dma_semaphore, #tpu.memory_space<semaphore_mem>>)
      } else {
      }
      %add3A_410 = arith.constant 5 : i32
      %add3A_411 = arith.addi %mul3A_100, %add3A_410 : i32
      %dma_wait3A_412 = arith.constant 0 : i32
      %dma_wait3A_413 = arith.constant 0 : i32
      %dma_wait3A_414 = tpu.memref_slice %arg3[%dma_wait3A_412, %dma_wait3A_413] : memref<64x1000000xf32, #tpu.memory_space<hbm>> -> memref<64x128xf32, #tpu.memory_space<hbm>>
      %dma_wait3A_415 = arith.constant 0 : i32
      %dma_wait3A_416 = arith.constant 0 : i32
      %dma_wait3A_417 = tpu.memref_slice %arg3[%dma_wait3A_415, %dma_wait3A_416] : memref<64x1000000xf32, #tpu.memory_space<hbm>> -> memref<64x128xf32, #tpu.memory_space<hbm>>
      tpu.wait_dma2 semaphore(%arg20 : memref<!tpu.dma_semaphore, #tpu.memory_space<semaphore_mem>>) src(%dma_wait3A_417 : memref<64x128xf32, #tpu.memory_space<hbm>>) dst(%arg12 : memref<64x128xf32, #tpu.memory_space<vmem>>)
      %slice3A_418 = vector.extract_strided_slice %get3A_102 {offsets = [5], sizes = [1], strides = [1]} : vector<16xi32> to vector<1xi32>
      %squeeze3A_419 = vector.extract %slice3A_418[0] : i32 from vector<1xi32>
      %and3A_420 = arith.constant 127 : i32
      %and3A_421 = arith.andi %squeeze3A_419, %and3A_420 : i32
      %broadcast_in_dim3A_422 = vector.broadcast %and3A_421 : i32 to vector<16xi32>
      %add3A_423 = arith.constant 0 : i32
      %add3A_424 = vector.broadcast %add3A_423 : i32 to vector<16xi32>
      %add3A_425 = arith.addi %add3A_424, %iota3A : vector<16xi32>
      %gather3A_426 = tpu.vector_load_idx %arg12[%add3A_425, %broadcast_in_dim3A_422] : memref<64x128xf32, #tpu.memory_space<vmem>>[vector<16xi32>, vector<16xi32>], vector<16xf32>,
      %mul3A_427 = arith.constant 8.000000e+00 : f32
      %mul3A_428 = vector.broadcast %mul3A_427 : f32 to vector<16xf32>
      %mul3A_429 = arith.mulf %gather3A_426, %mul3A_428 : vector<16xf32>
      %swap3A_430 = arith.index_cast %add3A_411 : i32 to index
      %swap3A_431 = arith.constant 0 : index
      %swap3A_432 = tpu.vector_load %arg6[%swap3A_430, %swap3A_431] {strides = array<i32>} : memref<256x128xf32, #tpu.memory_space<vmem>>, vector<16xf32>,
      tpu.vector_store %arg6[%swap3A_430, %swap3A_431], %mul3A_429 {strides = array<i32>} : memref<256x128xf32, #tpu.memory_space<vmem>>, vector<16xf32>,
      %add3A_433 = arith.constant 16 : i32
      %add3A_434 = vector.broadcast %add3A_433 : i32 to vector<16xi32>
      %add3A_435 = arith.addi %add3A_434, %iota3A : vector<16xi32>
      %gather3A_436 = tpu.vector_load_idx %arg12[%add3A_435, %broadcast_in_dim3A_422] : memref<64x128xf32, #tpu.memory_space<vmem>>[vector<16xi32>, vector<16xi32>], vector<16xf32>,
      %mul3A_437 = arith.constant 8.000000e+00 : f32
      %mul3A_438 = vector.broadcast %mul3A_437 : f32 to vector<16xf32>
      %mul3A_439 = arith.mulf %gather3A_436, %mul3A_438 : vector<16xf32>
      %swap3A_440 = arith.index_cast %add3A_411 : i32 to index
      %swap3A_441 = arith.constant 16 : index
      %swap3A_442 = tpu.vector_load %arg6[%swap3A_440, %swap3A_441] {strides = array<i32>} : memref<256x128xf32, #tpu.memory_space<vmem>>, vector<16xf32>,
      tpu.vector_store %arg6[%swap3A_440, %swap3A_441], %mul3A_439 {strides = array<i32>} : memref<256x128xf32, #tpu.memory_space<vmem>>, vector<16xf32>,
      %add3A_443 = arith.constant 32 : i32
      %add3A_444 = vector.broadcast %add3A_443 : i32 to vector<16xi32>
      %add3A_445 = arith.addi %add3A_444, %iota3A : vector<16xi32>
      %gather3A_446 = tpu.vector_load_idx %arg12[%add3A_445, %broadcast_in_dim3A_422] : memref<64x128xf32, #tpu.memory_space<vmem>>[vector<16xi32>, vector<16xi32>], vector<16xf32>,
      %mul3A_447 = arith.constant 8.000000e+00 : f32
      %mul3A_448 = vector.broadcast %mul3A_447 : f32 to vector<16xf32>
      %mul3A_449 = arith.mulf %gather3A_446, %mul3A_448 : vector<16xf32>
      %swap3A_450 = arith.index_cast %add3A_411 : i32 to index
      %swap3A_451 = arith.constant 32 : index
      %swap3A_452 = tpu.vector_load %arg6[%swap3A_450, %swap3A_451] {strides = array<i32>} : memref<256x128xf32, #tpu.memory_space<vmem>>, vector<16xf32>,
      tpu.vector_store %arg6[%swap3A_450, %swap3A_451], %mul3A_449 {strides = array<i32>} : memref<256x128xf32, #tpu.memory_space<vmem>>, vector<16xf32>,
      %add3A_453 = arith.constant 48 : i32
      %add3A_454 = vector.broadcast %add3A_453 : i32 to vector<16xi32>
      %add3A_455 = arith.addi %add3A_454, %iota3A : vector<16xi32>
      %gather3A_456 = tpu.vector_load_idx %arg12[%add3A_455, %broadcast_in_dim3A_422] : memref<64x128xf32, #tpu.memory_space<vmem>>[vector<16xi32>, vector<16xi32>], vector<16xf32>,
      %mul3A_457 = arith.constant 8.000000e+00 : f32
      %mul3A_458 = vector.broadcast %mul3A_457 : f32 to vector<16xf32>
      %mul3A_459 = arith.mulf %gather3A_456, %mul3A_458 : vector<16xf32>
      %swap3A_460 = arith.index_cast %add3A_411 : i32 to index
      %swap3A_461 = arith.constant 48 : index
      %swap3A_462 = tpu.vector_load %arg6[%swap3A_460, %swap3A_461] {strides = array<i32>} : memref<256x128xf32, #tpu.memory_space<vmem>>, vector<16xf32>,
      tpu.vector_store %arg6[%swap3A_460, %swap3A_461], %mul3A_459 {strides = array<i32>} : memref<256x128xf32, #tpu.memory_space<vmem>>, vector<16xf32>,
      %slice3A_463 = vector.extract_strided_slice %get3A_102 {offsets = [13], sizes = [1], strides = [1]} : vector<16xi32> to vector<1xi32>
      %squeeze3A_464 = vector.extract %slice3A_463[0] : i32 from vector<1xi32>
      %add3A_465 = arith.constant 8 : i32
      %add3A_466 = arith.addi %add3A_411, %add3A_465 : i32
      %lt3A_467 = arith.constant 256 : i32
      %lt3A_468 = arith.cmpi slt, %add3A_466, %lt3A_467 : i32
      %convert_element_type3A_469 = arith.extui %lt3A_468 : i1 to i32
      %cond3A_470 = arith.constant 0 : i32
      %cond3A_471 = arith.cmpi ne, %convert_element_type3A_469, %cond3A_470 : i32
      scf.if %cond3A_471 {
        %shift_right_arithmetic3A_1092 = arith.constant 7 : i32
        %shift_right_arithmetic3A_1093 = arith.shrsi %squeeze3A_464, %shift_right_arithmetic3A_1092 : i32
        %shift_left3A_1094 = arith.constant 7 : i32
        %shift_left3A_1095 = arith.shli %shift_right_arithmetic3A_1093, %shift_left3A_1094 : i32
        %multiple_of3A_1096 = tpu.assume_multiple %shift_left3A_1095, 128 : i32
        %dma_start3A_1097 = arith.constant 0 : i32
        %dma_start3A_1098 = tpu.memref_slice %arg3[%dma_start3A_1097, %multiple_of3A_1096] : memref<64x1000000xf32, #tpu.memory_space<hbm>> -> memref<64x128xf32, #tpu.memory_space<hbm>>
        %dma_start3A_1099 = arith.constant 0 : i32
        %dma_start3A_1100 = tpu.memref_slice %arg3[%dma_start3A_1099, %multiple_of3A_1096] : memref<64x1000000xf32, #tpu.memory_space<hbm>> -> memref<64x128xf32, #tpu.memory_space<hbm>>
        tpu.enqueue_dma source(%dma_start3A_1100 : memref<64x128xf32, #tpu.memory_space<hbm>>) target(%arg12 : memref<64x128xf32, #tpu.memory_space<vmem>>) target_semaphore(%arg20 : memref<!tpu.dma_semaphore, #tpu.memory_space<semaphore_mem>>)
      } else {
      }
      %add3A_472 = arith.constant 6 : i32
      %add3A_473 = arith.addi %mul3A_100, %add3A_472 : i32
      %dma_wait3A_474 = arith.constant 0 : i32
      %dma_wait3A_475 = arith.constant 0 : i32
      %dma_wait3A_476 = tpu.memref_slice %arg3[%dma_wait3A_474, %dma_wait3A_475] : memref<64x1000000xf32, #tpu.memory_space<hbm>> -> memref<64x128xf32, #tpu.memory_space<hbm>>
      %dma_wait3A_477 = arith.constant 0 : i32
      %dma_wait3A_478 = arith.constant 0 : i32
      %dma_wait3A_479 = tpu.memref_slice %arg3[%dma_wait3A_477, %dma_wait3A_478] : memref<64x1000000xf32, #tpu.memory_space<hbm>> -> memref<64x128xf32, #tpu.memory_space<hbm>>
      tpu.wait_dma2 semaphore(%arg21 : memref<!tpu.dma_semaphore, #tpu.memory_space<semaphore_mem>>) src(%dma_wait3A_479 : memref<64x128xf32, #tpu.memory_space<hbm>>) dst(%arg13 : memref<64x128xf32, #tpu.memory_space<vmem>>)
      %slice3A_480 = vector.extract_strided_slice %get3A_102 {offsets = [6], sizes = [1], strides = [1]} : vector<16xi32> to vector<1xi32>
      %squeeze3A_481 = vector.extract %slice3A_480[0] : i32 from vector<1xi32>
      %and3A_482 = arith.constant 127 : i32
      %and3A_483 = arith.andi %squeeze3A_481, %and3A_482 : i32
      %broadcast_in_dim3A_484 = vector.broadcast %and3A_483 : i32 to vector<16xi32>
      %add3A_485 = arith.constant 0 : i32
      %add3A_486 = vector.broadcast %add3A_485 : i32 to vector<16xi32>
      %add3A_487 = arith.addi %add3A_486, %iota3A : vector<16xi32>
      %gather3A_488 = tpu.vector_load_idx %arg13[%add3A_487, %broadcast_in_dim3A_484] : memref<64x128xf32, #tpu.memory_space<vmem>>[vector<16xi32>, vector<16xi32>], vector<16xf32>,
      %mul3A_489 = arith.constant 8.000000e+00 : f32
      %mul3A_490 = vector.broadcast %mul3A_489 : f32 to vector<16xf32>
      %mul3A_491 = arith.mulf %gather3A_488, %mul3A_490 : vector<16xf32>
      %swap3A_492 = arith.index_cast %add3A_473 : i32 to index
      %swap3A_493 = arith.constant 0 : index
      %swap3A_494 = tpu.vector_load %arg6[%swap3A_492, %swap3A_493] {strides = array<i32>} : memref<256x128xf32, #tpu.memory_space<vmem>>, vector<16xf32>,
      tpu.vector_store %arg6[%swap3A_492, %swap3A_493], %mul3A_491 {strides = array<i32>} : memref<256x128xf32, #tpu.memory_space<vmem>>, vector<16xf32>,
      %add3A_495 = arith.constant 16 : i32
      %add3A_496 = vector.broadcast %add3A_495 : i32 to vector<16xi32>
      %add3A_497 = arith.addi %add3A_496, %iota3A : vector<16xi32>
      %gather3A_498 = tpu.vector_load_idx %arg13[%add3A_497, %broadcast_in_dim3A_484] : memref<64x128xf32, #tpu.memory_space<vmem>>[vector<16xi32>, vector<16xi32>], vector<16xf32>,
      %mul3A_499 = arith.constant 8.000000e+00 : f32
      %mul3A_500 = vector.broadcast %mul3A_499 : f32 to vector<16xf32>
      %mul3A_501 = arith.mulf %gather3A_498, %mul3A_500 : vector<16xf32>
      %swap3A_502 = arith.index_cast %add3A_473 : i32 to index
      %swap3A_503 = arith.constant 16 : index
      %swap3A_504 = tpu.vector_load %arg6[%swap3A_502, %swap3A_503] {strides = array<i32>} : memref<256x128xf32, #tpu.memory_space<vmem>>, vector<16xf32>,
      tpu.vector_store %arg6[%swap3A_502, %swap3A_503], %mul3A_501 {strides = array<i32>} : memref<256x128xf32, #tpu.memory_space<vmem>>, vector<16xf32>,
      %add3A_505 = arith.constant 32 : i32
      %add3A_506 = vector.broadcast %add3A_505 : i32 to vector<16xi32>
      %add3A_507 = arith.addi %add3A_506, %iota3A : vector<16xi32>
      %gather3A_508 = tpu.vector_load_idx %arg13[%add3A_507, %broadcast_in_dim3A_484] : memref<64x128xf32, #tpu.memory_space<vmem>>[vector<16xi32>, vector<16xi32>], vector<16xf32>,
      %mul3A_509 = arith.constant 8.000000e+00 : f32
      %mul3A_510 = vector.broadcast %mul3A_509 : f32 to vector<16xf32>
      %mul3A_511 = arith.mulf %gather3A_508, %mul3A_510 : vector<16xf32>
      %swap3A_512 = arith.index_cast %add3A_473 : i32 to index
      %swap3A_513 = arith.constant 32 : index
      %swap3A_514 = tpu.vector_load %arg6[%swap3A_512, %swap3A_513] {strides = array<i32>} : memref<256x128xf32, #tpu.memory_space<vmem>>, vector<16xf32>,
      tpu.vector_store %arg6[%swap3A_512, %swap3A_513], %mul3A_511 {strides = array<i32>} : memref<256x128xf32, #tpu.memory_space<vmem>>, vector<16xf32>,
      %add3A_515 = arith.constant 48 : i32
      %add3A_516 = vector.broadcast %add3A_515 : i32 to vector<16xi32>
      %add3A_517 = arith.addi %add3A_516, %iota3A : vector<16xi32>
      %gather3A_518 = tpu.vector_load_idx %arg13[%add3A_517, %broadcast_in_dim3A_484] : memref<64x128xf32, #tpu.memory_space<vmem>>[vector<16xi32>, vector<16xi32>], vector<16xf32>,
      %mul3A_519 = arith.constant 8.000000e+00 : f32
      %mul3A_520 = vector.broadcast %mul3A_519 : f32 to vector<16xf32>
      %mul3A_521 = arith.mulf %gather3A_518, %mul3A_520 : vector<16xf32>
      %swap3A_522 = arith.index_cast %add3A_473 : i32 to index
      %swap3A_523 = arith.constant 48 : index
      %swap3A_524 = tpu.vector_load %arg6[%swap3A_522, %swap3A_523] {strides = array<i32>} : memref<256x128xf32, #tpu.memory_space<vmem>>, vector<16xf32>,
      tpu.vector_store %arg6[%swap3A_522, %swap3A_523], %mul3A_521 {strides = array<i32>} : memref<256x128xf32, #tpu.memory_space<vmem>>, vector<16xf32>,
      %slice3A_525 = vector.extract_strided_slice %get3A_102 {offsets = [14], sizes = [1], strides = [1]} : vector<16xi32> to vector<1xi32>
      %squeeze3A_526 = vector.extract %slice3A_525[0] : i32 from vector<1xi32>
      %add3A_527 = arith.constant 8 : i32
      %add3A_528 = arith.addi %add3A_473, %add3A_527 : i32
      %lt3A_529 = arith.constant 256 : i32
      %lt3A_530 = arith.cmpi slt, %add3A_528, %lt3A_529 : i32
      %convert_element_type3A_531 = arith.extui %lt3A_530 : i1 to i32
      %cond3A_532 = arith.constant 0 : i32
      %cond3A_533 = arith.cmpi ne, %convert_element_type3A_531, %cond3A_532 : i32
      scf.if %cond3A_533 {
        %shift_right_arithmetic3A_1092 = arith.constant 7 : i32
        %shift_right_arithmetic3A_1093 = arith.shrsi %squeeze3A_526, %shift_right_arithmetic3A_1092 : i32
        %shift_left3A_1094 = arith.constant 7 : i32
        %shift_left3A_1095 = arith.shli %shift_right_arithmetic3A_1093, %shift_left3A_1094 : i32
        %multiple_of3A_1096 = tpu.assume_multiple %shift_left3A_1095, 128 : i32
        %dma_start3A_1097 = arith.constant 0 : i32
        %dma_start3A_1098 = tpu.memref_slice %arg3[%dma_start3A_1097, %multiple_of3A_1096] : memref<64x1000000xf32, #tpu.memory_space<hbm>> -> memref<64x128xf32, #tpu.memory_space<hbm>>
        %dma_start3A_1099 = arith.constant 0 : i32
        %dma_start3A_1100 = tpu.memref_slice %arg3[%dma_start3A_1099, %multiple_of3A_1096] : memref<64x1000000xf32, #tpu.memory_space<hbm>> -> memref<64x128xf32, #tpu.memory_space<hbm>>
        tpu.enqueue_dma source(%dma_start3A_1100 : memref<64x128xf32, #tpu.memory_space<hbm>>) target(%arg13 : memref<64x128xf32, #tpu.memory_space<vmem>>) target_semaphore(%arg21 : memref<!tpu.dma_semaphore, #tpu.memory_space<semaphore_mem>>)
      } else {
      }
      %add3A_534 = arith.constant 7 : i32
      %add3A_535 = arith.addi %mul3A_100, %add3A_534 : i32
      %dma_wait3A_536 = arith.constant 0 : i32
      %dma_wait3A_537 = arith.constant 0 : i32
      %dma_wait3A_538 = tpu.memref_slice %arg3[%dma_wait3A_536, %dma_wait3A_537] : memref<64x1000000xf32, #tpu.memory_space<hbm>> -> memref<64x128xf32, #tpu.memory_space<hbm>>
      %dma_wait3A_539 = arith.constant 0 : i32
      %dma_wait3A_540 = arith.constant 0 : i32
      %dma_wait3A_541 = tpu.memref_slice %arg3[%dma_wait3A_539, %dma_wait3A_540] : memref<64x1000000xf32, #tpu.memory_space<hbm>> -> memref<64x128xf32, #tpu.memory_space<hbm>>
      tpu.wait_dma2 semaphore(%arg22 : memref<!tpu.dma_semaphore, #tpu.memory_space<semaphore_mem>>) src(%dma_wait3A_541 : memref<64x128xf32, #tpu.memory_space<hbm>>) dst(%arg14 : memref<64x128xf32, #tpu.memory_space<vmem>>)
      %slice3A_542 = vector.extract_strided_slice %get3A_102 {offsets = [7], sizes = [1], strides = [1]} : vector<16xi32> to vector<1xi32>
      %squeeze3A_543 = vector.extract %slice3A_542[0] : i32 from vector<1xi32>
      %and3A_544 = arith.constant 127 : i32
      %and3A_545 = arith.andi %squeeze3A_543, %and3A_544 : i32
      %broadcast_in_dim3A_546 = vector.broadcast %and3A_545 : i32 to vector<16xi32>
      %add3A_547 = arith.constant 0 : i32
      %add3A_548 = vector.broadcast %add3A_547 : i32 to vector<16xi32>
      %add3A_549 = arith.addi %add3A_548, %iota3A : vector<16xi32>
      %gather3A_550 = tpu.vector_load_idx %arg14[%add3A_549, %broadcast_in_dim3A_546] : memref<64x128xf32, #tpu.memory_space<vmem>>[vector<16xi32>, vector<16xi32>], vector<16xf32>,
      %mul3A_551 = arith.constant 8.000000e+00 : f32
      %mul3A_552 = vector.broadcast %mul3A_551 : f32 to vector<16xf32>
      %mul3A_553 = arith.mulf %gather3A_550, %mul3A_552 : vector<16xf32>
      %swap3A_554 = arith.index_cast %add3A_535 : i32 to index
      %swap3A_555 = arith.constant 0 : index
      %swap3A_556 = tpu.vector_load %arg6[%swap3A_554, %swap3A_555] {strides = array<i32>} : memref<256x128xf32, #tpu.memory_space<vmem>>, vector<16xf32>,
      tpu.vector_store %arg6[%swap3A_554, %swap3A_555], %mul3A_553 {strides = array<i32>} : memref<256x128xf32, #tpu.memory_space<vmem>>, vector<16xf32>,
      %add3A_557 = arith.constant 16 : i32
      %add3A_558 = vector.broadcast %add3A_557 : i32 to vector<16xi32>
      %add3A_559 = arith.addi %add3A_558, %iota3A : vector<16xi32>
      %gather3A_560 = tpu.vector_load_idx %arg14[%add3A_559, %broadcast_in_dim3A_546] : memref<64x128xf32, #tpu.memory_space<vmem>>[vector<16xi32>, vector<16xi32>], vector<16xf32>,
      %mul3A_561 = arith.constant 8.000000e+00 : f32
      %mul3A_562 = vector.broadcast %mul3A_561 : f32 to vector<16xf32>
      %mul3A_563 = arith.mulf %gather3A_560, %mul3A_562 : vector<16xf32>
      %swap3A_564 = arith.index_cast %add3A_535 : i32 to index
      %swap3A_565 = arith.constant 16 : index
      %swap3A_566 = tpu.vector_load %arg6[%swap3A_564, %swap3A_565] {strides = array<i32>} : memref<256x128xf32, #tpu.memory_space<vmem>>, vector<16xf32>,
      tpu.vector_store %arg6[%swap3A_564, %swap3A_565], %mul3A_563 {strides = array<i32>} : memref<256x128xf32, #tpu.memory_space<vmem>>, vector<16xf32>,
      %add3A_567 = arith.constant 32 : i32
      %add3A_568 = vector.broadcast %add3A_567 : i32 to vector<16xi32>
      %add3A_569 = arith.addi %add3A_568, %iota3A : vector<16xi32>
      %gather3A_570 = tpu.vector_load_idx %arg14[%add3A_569, %broadcast_in_dim3A_546] : memref<64x128xf32, #tpu.memory_space<vmem>>[vector<16xi32>, vector<16xi32>], vector<16xf32>,
      %mul3A_571 = arith.constant 8.000000e+00 : f32
      %mul3A_572 = vector.broadcast %mul3A_571 : f32 to vector<16xf32>
      %mul3A_573 = arith.mulf %gather3A_570, %mul3A_572 : vector<16xf32>
      %swap3A_574 = arith.index_cast %add3A_535 : i32 to index
      %swap3A_575 = arith.constant 32 : index
      %swap3A_576 = tpu.vector_load %arg6[%swap3A_574, %swap3A_575] {strides = array<i32>} : memref<256x128xf32, #tpu.memory_space<vmem>>, vector<16xf32>,
      tpu.vector_store %arg6[%swap3A_574, %swap3A_575], %mul3A_573 {strides = array<i32>} : memref<256x128xf32, #tpu.memory_space<vmem>>, vector<16xf32>,
      %add3A_577 = arith.constant 48 : i32
      %add3A_578 = vector.broadcast %add3A_577 : i32 to vector<16xi32>
      %add3A_579 = arith.addi %add3A_578, %iota3A : vector<16xi32>
      %gather3A_580 = tpu.vector_load_idx %arg14[%add3A_579, %broadcast_in_dim3A_546] : memref<64x128xf32, #tpu.memory_space<vmem>>[vector<16xi32>, vector<16xi32>], vector<16xf32>,
      %mul3A_581 = arith.constant 8.000000e+00 : f32
      %mul3A_582 = vector.broadcast %mul3A_581 : f32 to vector<16xf32>
      %mul3A_583 = arith.mulf %gather3A_580, %mul3A_582 : vector<16xf32>
      %swap3A_584 = arith.index_cast %add3A_535 : i32 to index
      %swap3A_585 = arith.constant 48 : index
      %swap3A_586 = tpu.vector_load %arg6[%swap3A_584, %swap3A_585] {strides = array<i32>} : memref<256x128xf32, #tpu.memory_space<vmem>>, vector<16xf32>,
      tpu.vector_store %arg6[%swap3A_584, %swap3A_585], %mul3A_583 {strides = array<i32>} : memref<256x128xf32, #tpu.memory_space<vmem>>, vector<16xf32>,
      %slice3A_587 = vector.extract_strided_slice %get3A_102 {offsets = [15], sizes = [1], strides = [1]} : vector<16xi32> to vector<1xi32>
      %squeeze3A_588 = vector.extract %slice3A_587[0] : i32 from vector<1xi32>
      %add3A_589 = arith.constant 8 : i32
      %add3A_590 = arith.addi %add3A_535, %add3A_589 : i32
      %lt3A_591 = arith.constant 256 : i32
      %lt3A_592 = arith.cmpi slt, %add3A_590, %lt3A_591 : i32
      %convert_element_type3A_593 = arith.extui %lt3A_592 : i1 to i32
      %cond3A_594 = arith.constant 0 : i32
      %cond3A_595 = arith.cmpi ne, %convert_element_type3A_593, %cond3A_594 : i32
      scf.if %cond3A_595 {
        %shift_right_arithmetic3A_1092 = arith.constant 7 : i32
        %shift_right_arithmetic3A_1093 = arith.shrsi %squeeze3A_588, %shift_right_arithmetic3A_1092 : i32
        %shift_left3A_1094 = arith.constant 7 : i32
        %shift_left3A_1095 = arith.shli %shift_right_arithmetic3A_1093, %shift_left3A_1094 : i32
        %multiple_of3A_1096 = tpu.assume_multiple %shift_left3A_1095, 128 : i32
        %dma_start3A_1097 = arith.constant 0 : i32
        %dma_start3A_1098 = tpu.memref_slice %arg3[%dma_start3A_1097, %multiple_of3A_1096] : memref<64x1000000xf32, #tpu.memory_space<hbm>> -> memref<64x128xf32, #tpu.memory_space<hbm>>
        %dma_start3A_1099 = arith.constant 0 : i32
        %dma_start3A_1100 = tpu.memref_slice %arg3[%dma_start3A_1099, %multiple_of3A_1096] : memref<64x1000000xf32, #tpu.memory_space<hbm>> -> memref<64x128xf32, #tpu.memory_space<hbm>>
        tpu.enqueue_dma source(%dma_start3A_1100 : memref<64x128xf32, #tpu.memory_space<hbm>>) target(%arg14 : memref<64x128xf32, #tpu.memory_space<vmem>>) target_semaphore(%arg22 : memref<!tpu.dma_semaphore, #tpu.memory_space<semaphore_mem>>)
      } else {
      }
      %add3A_596 = arith.constant 8 : i32
      %add3A_597 = arith.addi %mul3A_100, %add3A_596 : i32
      %dma_wait3A_598 = arith.constant 0 : i32
      %dma_wait3A_599 = arith.constant 0 : i32
      %dma_wait3A_600 = tpu.memref_slice %arg3[%dma_wait3A_598, %dma_wait3A_599] : memref<64x1000000xf32, #tpu.memory_space<hbm>> -> memref<64x128xf32, #tpu.memory_space<hbm>>
      %dma_wait3A_601 = arith.constant 0 : i32
      %dma_wait3A_602 = arith.constant 0 : i32
      %dma_wait3A_603 = tpu.memref_slice %arg3[%dma_wait3A_601, %dma_wait3A_602] : memref<64x1000000xf32, #tpu.memory_space<hbm>> -> memref<64x128xf32, #tpu.memory_space<hbm>>
      tpu.wait_dma2 semaphore(%arg15 : memref<!tpu.dma_semaphore, #tpu.memory_space<semaphore_mem>>) src(%dma_wait3A_603 : memref<64x128xf32, #tpu.memory_space<hbm>>) dst(%arg7 : memref<64x128xf32, #tpu.memory_space<vmem>>)
      %slice3A_604 = vector.extract_strided_slice %get3A_102 {offsets = [8], sizes = [1], strides = [1]} : vector<16xi32> to vector<1xi32>
      %squeeze3A_605 = vector.extract %slice3A_604[0] : i32 from vector<1xi32>
      %and3A_606 = arith.constant 127 : i32
      %and3A_607 = arith.andi %squeeze3A_605, %and3A_606 : i32
      %broadcast_in_dim3A_608 = vector.broadcast %and3A_607 : i32 to vector<16xi32>
      %add3A_609 = arith.constant 0 : i32
      %add3A_610 = vector.broadcast %add3A_609 : i32 to vector<16xi32>
      %add3A_611 = arith.addi %add3A_610, %iota3A : vector<16xi32>
      %gather3A_612 = tpu.vector_load_idx %arg7[%add3A_611, %broadcast_in_dim3A_608] : memref<64x128xf32, #tpu.memory_space<vmem>>[vector<16xi32>, vector<16xi32>], vector<16xf32>,
      %mul3A_613 = arith.constant 8.000000e+00 : f32
      %mul3A_614 = vector.broadcast %mul3A_613 : f32 to vector<16xf32>
      %mul3A_615 = arith.mulf %gather3A_612, %mul3A_614 : vector<16xf32>
      %swap3A_616 = arith.index_cast %add3A_597 : i32 to index
      %swap3A_617 = arith.constant 0 : index
      %swap3A_618 = tpu.vector_load %arg6[%swap3A_616, %swap3A_617] {strides = array<i32>} : memref<256x128xf32, #tpu.memory_space<vmem>>, vector<16xf32>,
      tpu.vector_store %arg6[%swap3A_616, %swap3A_617], %mul3A_615 {strides = array<i32>} : memref<256x128xf32, #tpu.memory_space<vmem>>, vector<16xf32>,
      %add3A_619 = arith.constant 16 : i32
      %add3A_620 = vector.broadcast %add3A_619 : i32 to vector<16xi32>
      %add3A_621 = arith.addi %add3A_620, %iota3A : vector<16xi32>
      %gather3A_622 = tpu.vector_load_idx %arg7[%add3A_621, %broadcast_in_dim3A_608] : memref<64x128xf32, #tpu.memory_space<vmem>>[vector<16xi32>, vector<16xi32>], vector<16xf32>,
      %mul3A_623 = arith.constant 8.000000e+00 : f32
      %mul3A_624 = vector.broadcast %mul3A_623 : f32 to vector<16xf32>
      %mul3A_625 = arith.mulf %gather3A_622, %mul3A_624 : vector<16xf32>
      %swap3A_626 = arith.index_cast %add3A_597 : i32 to index
      %swap3A_627 = arith.constant 16 : index
      %swap3A_628 = tpu.vector_load %arg6[%swap3A_626, %swap3A_627] {strides = array<i32>} : memref<256x128xf32, #tpu.memory_space<vmem>>, vector<16xf32>,
      tpu.vector_store %arg6[%swap3A_626, %swap3A_627], %mul3A_625 {strides = array<i32>} : memref<256x128xf32, #tpu.memory_space<vmem>>, vector<16xf32>,
      %add3A_629 = arith.constant 32 : i32
      %add3A_630 = vector.broadcast %add3A_629 : i32 to vector<16xi32>
      %add3A_631 = arith.addi %add3A_630, %iota3A : vector<16xi32>
      %gather3A_632 = tpu.vector_load_idx %arg7[%add3A_631, %broadcast_in_dim3A_608] : memref<64x128xf32, #tpu.memory_space<vmem>>[vector<16xi32>, vector<16xi32>], vector<16xf32>,
      %mul3A_633 = arith.constant 8.000000e+00 : f32
      %mul3A_634 = vector.broadcast %mul3A_633 : f32 to vector<16xf32>
      %mul3A_635 = arith.mulf %gather3A_632, %mul3A_634 : vector<16xf32>
      %swap3A_636 = arith.index_cast %add3A_597 : i32 to index
      %swap3A_637 = arith.constant 32 : index
      %swap3A_638 = tpu.vector_load %arg6[%swap3A_636, %swap3A_637] {strides = array<i32>} : memref<256x128xf32, #tpu.memory_space<vmem>>, vector<16xf32>,
      tpu.vector_store %arg6[%swap3A_636, %swap3A_637], %mul3A_635 {strides = array<i32>} : memref<256x128xf32, #tpu.memory_space<vmem>>, vector<16xf32>,
      %add3A_639 = arith.constant 48 : i32
      %add3A_640 = vector.broadcast %add3A_639 : i32 to vector<16xi32>
      %add3A_641 = arith.addi %add3A_640, %iota3A : vector<16xi32>
      %gather3A_642 = tpu.vector_load_idx %arg7[%add3A_641, %broadcast_in_dim3A_608] : memref<64x128xf32, #tpu.memory_space<vmem>>[vector<16xi32>, vector<16xi32>], vector<16xf32>,
      %mul3A_643 = arith.constant 8.000000e+00 : f32
      %mul3A_644 = vector.broadcast %mul3A_643 : f32 to vector<16xf32>
      %mul3A_645 = arith.mulf %gather3A_642, %mul3A_644 : vector<16xf32>
      %swap3A_646 = arith.index_cast %add3A_597 : i32 to index
      %swap3A_647 = arith.constant 48 : index
      %swap3A_648 = tpu.vector_load %arg6[%swap3A_646, %swap3A_647] {strides = array<i32>} : memref<256x128xf32, #tpu.memory_space<vmem>>, vector<16xf32>,
      tpu.vector_store %arg6[%swap3A_646, %swap3A_647], %mul3A_645 {strides = array<i32>} : memref<256x128xf32, #tpu.memory_space<vmem>>, vector<16xf32>,
      %slice3A_649 = vector.extract_strided_slice %get3A_106 {offsets = [0], sizes = [1], strides = [1]} : vector<16xi32> to vector<1xi32>
      %squeeze3A_650 = vector.extract %slice3A_649[0] : i32 from vector<1xi32>
      %add3A_651 = arith.constant 8 : i32
      %add3A_652 = arith.addi %add3A_597, %add3A_651 : i32
      %lt3A_653 = arith.constant 256 : i32
      %lt3A_654 = arith.cmpi slt, %add3A_652, %lt3A_653 : i32
      %convert_element_type3A_655 = arith.extui %lt3A_654 : i1 to i32
      %cond3A_656 = arith.constant 0 : i32
      %cond3A_657 = arith.cmpi ne, %convert_element_type3A_655, %cond3A_656 : i32
      scf.if %cond3A_657 {
        %shift_right_arithmetic3A_1092 = arith.constant 7 : i32
        %shift_right_arithmetic3A_1093 = arith.shrsi %squeeze3A_650, %shift_right_arithmetic3A_1092 : i32
        %shift_left3A_1094 = arith.constant 7 : i32
        %shift_left3A_1095 = arith.shli %shift_right_arithmetic3A_1093, %shift_left3A_1094 : i32
        %multiple_of3A_1096 = tpu.assume_multiple %shift_left3A_1095, 128 : i32
        %dma_start3A_1097 = arith.constant 0 : i32
        %dma_start3A_1098 = tpu.memref_slice %arg3[%dma_start3A_1097, %multiple_of3A_1096] : memref<64x1000000xf32, #tpu.memory_space<hbm>> -> memref<64x128xf32, #tpu.memory_space<hbm>>
        %dma_start3A_1099 = arith.constant 0 : i32
        %dma_start3A_1100 = tpu.memref_slice %arg3[%dma_start3A_1099, %multiple_of3A_1096] : memref<64x1000000xf32, #tpu.memory_space<hbm>> -> memref<64x128xf32, #tpu.memory_space<hbm>>
        tpu.enqueue_dma source(%dma_start3A_1100 : memref<64x128xf32, #tpu.memory_space<hbm>>) target(%arg7 : memref<64x128xf32, #tpu.memory_space<vmem>>) target_semaphore(%arg15 : memref<!tpu.dma_semaphore, #tpu.memory_space<semaphore_mem>>)
      } else {
      }
      %add3A_658 = arith.constant 9 : i32
      %add3A_659 = arith.addi %mul3A_100, %add3A_658 : i32
      %dma_wait3A_660 = arith.constant 0 : i32
      %dma_wait3A_661 = arith.constant 0 : i32
      %dma_wait3A_662 = tpu.memref_slice %arg3[%dma_wait3A_660, %dma_wait3A_661] : memref<64x1000000xf32, #tpu.memory_space<hbm>> -> memref<64x128xf32, #tpu.memory_space<hbm>>
      %dma_wait3A_663 = arith.constant 0 : i32
      %dma_wait3A_664 = arith.constant 0 : i32
      %dma_wait3A_665 = tpu.memref_slice %arg3[%dma_wait3A_663, %dma_wait3A_664] : memref<64x1000000xf32, #tpu.memory_space<hbm>> -> memref<64x128xf32, #tpu.memory_space<hbm>>
      tpu.wait_dma2 semaphore(%arg16 : memref<!tpu.dma_semaphore, #tpu.memory_space<semaphore_mem>>) src(%dma_wait3A_665 : memref<64x128xf32, #tpu.memory_space<hbm>>) dst(%arg8 : memref<64x128xf32, #tpu.memory_space<vmem>>)
      %slice3A_666 = vector.extract_strided_slice %get3A_102 {offsets = [9], sizes = [1], strides = [1]} : vector<16xi32> to vector<1xi32>
      %squeeze3A_667 = vector.extract %slice3A_666[0] : i32 from vector<1xi32>
      %and3A_668 = arith.constant 127 : i32
      %and3A_669 = arith.andi %squeeze3A_667, %and3A_668 : i32
      %broadcast_in_dim3A_670 = vector.broadcast %and3A_669 : i32 to vector<16xi32>
      %add3A_671 = arith.constant 0 : i32
      %add3A_672 = vector.broadcast %add3A_671 : i32 to vector<16xi32>
      %add3A_673 = arith.addi %add3A_672, %iota3A : vector<16xi32>
      %gather3A_674 = tpu.vector_load_idx %arg8[%add3A_673, %broadcast_in_dim3A_670] : memref<64x128xf32, #tpu.memory_space<vmem>>[vector<16xi32>, vector<16xi32>], vector<16xf32>,
      %mul3A_675 = arith.constant 8.000000e+00 : f32
      %mul3A_676 = vector.broadcast %mul3A_675 : f32 to vector<16xf32>
      %mul3A_677 = arith.mulf %gather3A_674, %mul3A_676 : vector<16xf32>
      %swap3A_678 = arith.index_cast %add3A_659 : i32 to index
      %swap3A_679 = arith.constant 0 : index
      %swap3A_680 = tpu.vector_load %arg6[%swap3A_678, %swap3A_679] {strides = array<i32>} : memref<256x128xf32, #tpu.memory_space<vmem>>, vector<16xf32>,
      tpu.vector_store %arg6[%swap3A_678, %swap3A_679], %mul3A_677 {strides = array<i32>} : memref<256x128xf32, #tpu.memory_space<vmem>>, vector<16xf32>,
      %add3A_681 = arith.constant 16 : i32
      %add3A_682 = vector.broadcast %add3A_681 : i32 to vector<16xi32>
      %add3A_683 = arith.addi %add3A_682, %iota3A : vector<16xi32>
      %gather3A_684 = tpu.vector_load_idx %arg8[%add3A_683, %broadcast_in_dim3A_670] : memref<64x128xf32, #tpu.memory_space<vmem>>[vector<16xi32>, vector<16xi32>], vector<16xf32>,
      %mul3A_685 = arith.constant 8.000000e+00 : f32
      %mul3A_686 = vector.broadcast %mul3A_685 : f32 to vector<16xf32>
      %mul3A_687 = arith.mulf %gather3A_684, %mul3A_686 : vector<16xf32>
      %swap3A_688 = arith.index_cast %add3A_659 : i32 to index
      %swap3A_689 = arith.constant 16 : index
      %swap3A_690 = tpu.vector_load %arg6[%swap3A_688, %swap3A_689] {strides = array<i32>} : memref<256x128xf32, #tpu.memory_space<vmem>>, vector<16xf32>,
      tpu.vector_store %arg6[%swap3A_688, %swap3A_689], %mul3A_687 {strides = array<i32>} : memref<256x128xf32, #tpu.memory_space<vmem>>, vector<16xf32>,
      %add3A_691 = arith.constant 32 : i32
      %add3A_692 = vector.broadcast %add3A_691 : i32 to vector<16xi32>
      %add3A_693 = arith.addi %add3A_692, %iota3A : vector<16xi32>
      %gather3A_694 = tpu.vector_load_idx %arg8[%add3A_693, %broadcast_in_dim3A_670] : memref<64x128xf32, #tpu.memory_space<vmem>>[vector<16xi32>, vector<16xi32>], vector<16xf32>,
      %mul3A_695 = arith.constant 8.000000e+00 : f32
      %mul3A_696 = vector.broadcast %mul3A_695 : f32 to vector<16xf32>
      %mul3A_697 = arith.mulf %gather3A_694, %mul3A_696 : vector<16xf32>
      %swap3A_698 = arith.index_cast %add3A_659 : i32 to index
      %swap3A_699 = arith.constant 32 : index
      %swap3A_700 = tpu.vector_load %arg6[%swap3A_698, %swap3A_699] {strides = array<i32>} : memref<256x128xf32, #tpu.memory_space<vmem>>, vector<16xf32>,
      tpu.vector_store %arg6[%swap3A_698, %swap3A_699], %mul3A_697 {strides = array<i32>} : memref<256x128xf32, #tpu.memory_space<vmem>>, vector<16xf32>,
      %add3A_701 = arith.constant 48 : i32
      %add3A_702 = vector.broadcast %add3A_701 : i32 to vector<16xi32>
      %add3A_703 = arith.addi %add3A_702, %iota3A : vector<16xi32>
      %gather3A_704 = tpu.vector_load_idx %arg8[%add3A_703, %broadcast_in_dim3A_670] : memref<64x128xf32, #tpu.memory_space<vmem>>[vector<16xi32>, vector<16xi32>], vector<16xf32>,
      %mul3A_705 = arith.constant 8.000000e+00 : f32
      %mul3A_706 = vector.broadcast %mul3A_705 : f32 to vector<16xf32>
      %mul3A_707 = arith.mulf %gather3A_704, %mul3A_706 : vector<16xf32>
      %swap3A_708 = arith.index_cast %add3A_659 : i32 to index
      %swap3A_709 = arith.constant 48 : index
      %swap3A_710 = tpu.vector_load %arg6[%swap3A_708, %swap3A_709] {strides = array<i32>} : memref<256x128xf32, #tpu.memory_space<vmem>>, vector<16xf32>,
      tpu.vector_store %arg6[%swap3A_708, %swap3A_709], %mul3A_707 {strides = array<i32>} : memref<256x128xf32, #tpu.memory_space<vmem>>, vector<16xf32>,
      %slice3A_711 = vector.extract_strided_slice %get3A_106 {offsets = [1], sizes = [1], strides = [1]} : vector<16xi32> to vector<1xi32>
      %squeeze3A_712 = vector.extract %slice3A_711[0] : i32 from vector<1xi32>
      %add3A_713 = arith.constant 8 : i32
      %add3A_714 = arith.addi %add3A_659, %add3A_713 : i32
      %lt3A_715 = arith.constant 256 : i32
      %lt3A_716 = arith.cmpi slt, %add3A_714, %lt3A_715 : i32
      %convert_element_type3A_717 = arith.extui %lt3A_716 : i1 to i32
      %cond3A_718 = arith.constant 0 : i32
      %cond3A_719 = arith.cmpi ne, %convert_element_type3A_717, %cond3A_718 : i32
      scf.if %cond3A_719 {
        %shift_right_arithmetic3A_1092 = arith.constant 7 : i32
        %shift_right_arithmetic3A_1093 = arith.shrsi %squeeze3A_712, %shift_right_arithmetic3A_1092 : i32
        %shift_left3A_1094 = arith.constant 7 : i32
        %shift_left3A_1095 = arith.shli %shift_right_arithmetic3A_1093, %shift_left3A_1094 : i32
        %multiple_of3A_1096 = tpu.assume_multiple %shift_left3A_1095, 128 : i32
        %dma_start3A_1097 = arith.constant 0 : i32
        %dma_start3A_1098 = tpu.memref_slice %arg3[%dma_start3A_1097, %multiple_of3A_1096] : memref<64x1000000xf32, #tpu.memory_space<hbm>> -> memref<64x128xf32, #tpu.memory_space<hbm>>
        %dma_start3A_1099 = arith.constant 0 : i32
        %dma_start3A_1100 = tpu.memref_slice %arg3[%dma_start3A_1099, %multiple_of3A_1096] : memref<64x1000000xf32, #tpu.memory_space<hbm>> -> memref<64x128xf32, #tpu.memory_space<hbm>>
        tpu.enqueue_dma source(%dma_start3A_1100 : memref<64x128xf32, #tpu.memory_space<hbm>>) target(%arg8 : memref<64x128xf32, #tpu.memory_space<vmem>>) target_semaphore(%arg16 : memref<!tpu.dma_semaphore, #tpu.memory_space<semaphore_mem>>)
      } else {
      }
      %add3A_720 = arith.constant 10 : i32
      %add3A_721 = arith.addi %mul3A_100, %add3A_720 : i32
      %dma_wait3A_722 = arith.constant 0 : i32
      %dma_wait3A_723 = arith.constant 0 : i32
      %dma_wait3A_724 = tpu.memref_slice %arg3[%dma_wait3A_722, %dma_wait3A_723] : memref<64x1000000xf32, #tpu.memory_space<hbm>> -> memref<64x128xf32, #tpu.memory_space<hbm>>
      %dma_wait3A_725 = arith.constant 0 : i32
      %dma_wait3A_726 = arith.constant 0 : i32
      %dma_wait3A_727 = tpu.memref_slice %arg3[%dma_wait3A_725, %dma_wait3A_726] : memref<64x1000000xf32, #tpu.memory_space<hbm>> -> memref<64x128xf32, #tpu.memory_space<hbm>>
      tpu.wait_dma2 semaphore(%arg17 : memref<!tpu.dma_semaphore, #tpu.memory_space<semaphore_mem>>) src(%dma_wait3A_727 : memref<64x128xf32, #tpu.memory_space<hbm>>) dst(%arg9 : memref<64x128xf32, #tpu.memory_space<vmem>>)
      %slice3A_728 = vector.extract_strided_slice %get3A_102 {offsets = [10], sizes = [1], strides = [1]} : vector<16xi32> to vector<1xi32>
      %squeeze3A_729 = vector.extract %slice3A_728[0] : i32 from vector<1xi32>
      %and3A_730 = arith.constant 127 : i32
      %and3A_731 = arith.andi %squeeze3A_729, %and3A_730 : i32
      %broadcast_in_dim3A_732 = vector.broadcast %and3A_731 : i32 to vector<16xi32>
      %add3A_733 = arith.constant 0 : i32
      %add3A_734 = vector.broadcast %add3A_733 : i32 to vector<16xi32>
      %add3A_735 = arith.addi %add3A_734, %iota3A : vector<16xi32>
      %gather3A_736 = tpu.vector_load_idx %arg9[%add3A_735, %broadcast_in_dim3A_732] : memref<64x128xf32, #tpu.memory_space<vmem>>[vector<16xi32>, vector<16xi32>], vector<16xf32>,
      %mul3A_737 = arith.constant 8.000000e+00 : f32
      %mul3A_738 = vector.broadcast %mul3A_737 : f32 to vector<16xf32>
      %mul3A_739 = arith.mulf %gather3A_736, %mul3A_738 : vector<16xf32>
      %swap3A_740 = arith.index_cast %add3A_721 : i32 to index
      %swap3A_741 = arith.constant 0 : index
      %swap3A_742 = tpu.vector_load %arg6[%swap3A_740, %swap3A_741] {strides = array<i32>} : memref<256x128xf32, #tpu.memory_space<vmem>>, vector<16xf32>,
      tpu.vector_store %arg6[%swap3A_740, %swap3A_741], %mul3A_739 {strides = array<i32>} : memref<256x128xf32, #tpu.memory_space<vmem>>, vector<16xf32>,
      %add3A_743 = arith.constant 16 : i32
      %add3A_744 = vector.broadcast %add3A_743 : i32 to vector<16xi32>
      %add3A_745 = arith.addi %add3A_744, %iota3A : vector<16xi32>
      %gather3A_746 = tpu.vector_load_idx %arg9[%add3A_745, %broadcast_in_dim3A_732] : memref<64x128xf32, #tpu.memory_space<vmem>>[vector<16xi32>, vector<16xi32>], vector<16xf32>,
      %mul3A_747 = arith.constant 8.000000e+00 : f32
      %mul3A_748 = vector.broadcast %mul3A_747 : f32 to vector<16xf32>
      %mul3A_749 = arith.mulf %gather3A_746, %mul3A_748 : vector<16xf32>
      %swap3A_750 = arith.index_cast %add3A_721 : i32 to index
      %swap3A_751 = arith.constant 16 : index
      %swap3A_752 = tpu.vector_load %arg6[%swap3A_750, %swap3A_751] {strides = array<i32>} : memref<256x128xf32, #tpu.memory_space<vmem>>, vector<16xf32>,
      tpu.vector_store %arg6[%swap3A_750, %swap3A_751], %mul3A_749 {strides = array<i32>} : memref<256x128xf32, #tpu.memory_space<vmem>>, vector<16xf32>,
      %add3A_753 = arith.constant 32 : i32
      %add3A_754 = vector.broadcast %add3A_753 : i32 to vector<16xi32>
      %add3A_755 = arith.addi %add3A_754, %iota3A : vector<16xi32>
      %gather3A_756 = tpu.vector_load_idx %arg9[%add3A_755, %broadcast_in_dim3A_732] : memref<64x128xf32, #tpu.memory_space<vmem>>[vector<16xi32>, vector<16xi32>], vector<16xf32>,
      %mul3A_757 = arith.constant 8.000000e+00 : f32
      %mul3A_758 = vector.broadcast %mul3A_757 : f32 to vector<16xf32>
      %mul3A_759 = arith.mulf %gather3A_756, %mul3A_758 : vector<16xf32>
      %swap3A_760 = arith.index_cast %add3A_721 : i32 to index
      %swap3A_761 = arith.constant 32 : index
      %swap3A_762 = tpu.vector_load %arg6[%swap3A_760, %swap3A_761] {strides = array<i32>} : memref<256x128xf32, #tpu.memory_space<vmem>>, vector<16xf32>,
      tpu.vector_store %arg6[%swap3A_760, %swap3A_761], %mul3A_759 {strides = array<i32>} : memref<256x128xf32, #tpu.memory_space<vmem>>, vector<16xf32>,
      %add3A_763 = arith.constant 48 : i32
      %add3A_764 = vector.broadcast %add3A_763 : i32 to vector<16xi32>
      %add3A_765 = arith.addi %add3A_764, %iota3A : vector<16xi32>
      %gather3A_766 = tpu.vector_load_idx %arg9[%add3A_765, %broadcast_in_dim3A_732] : memref<64x128xf32, #tpu.memory_space<vmem>>[vector<16xi32>, vector<16xi32>], vector<16xf32>,
      %mul3A_767 = arith.constant 8.000000e+00 : f32
      %mul3A_768 = vector.broadcast %mul3A_767 : f32 to vector<16xf32>
      %mul3A_769 = arith.mulf %gather3A_766, %mul3A_768 : vector<16xf32>
      %swap3A_770 = arith.index_cast %add3A_721 : i32 to index
      %swap3A_771 = arith.constant 48 : index
      %swap3A_772 = tpu.vector_load %arg6[%swap3A_770, %swap3A_771] {strides = array<i32>} : memref<256x128xf32, #tpu.memory_space<vmem>>, vector<16xf32>,
      tpu.vector_store %arg6[%swap3A_770, %swap3A_771], %mul3A_769 {strides = array<i32>} : memref<256x128xf32, #tpu.memory_space<vmem>>, vector<16xf32>,
      %slice3A_773 = vector.extract_strided_slice %get3A_106 {offsets = [2], sizes = [1], strides = [1]} : vector<16xi32> to vector<1xi32>
      %squeeze3A_774 = vector.extract %slice3A_773[0] : i32 from vector<1xi32>
      %add3A_775 = arith.constant 8 : i32
      %add3A_776 = arith.addi %add3A_721, %add3A_775 : i32
      %lt3A_777 = arith.constant 256 : i32
      %lt3A_778 = arith.cmpi slt, %add3A_776, %lt3A_777 : i32
      %convert_element_type3A_779 = arith.extui %lt3A_778 : i1 to i32
      %cond3A_780 = arith.constant 0 : i32
      %cond3A_781 = arith.cmpi ne, %convert_element_type3A_779, %cond3A_780 : i32
      scf.if %cond3A_781 {
        %shift_right_arithmetic3A_1092 = arith.constant 7 : i32
        %shift_right_arithmetic3A_1093 = arith.shrsi %squeeze3A_774, %shift_right_arithmetic3A_1092 : i32
        %shift_left3A_1094 = arith.constant 7 : i32
        %shift_left3A_1095 = arith.shli %shift_right_arithmetic3A_1093, %shift_left3A_1094 : i32
        %multiple_of3A_1096 = tpu.assume_multiple %shift_left3A_1095, 128 : i32
        %dma_start3A_1097 = arith.constant 0 : i32
        %dma_start3A_1098 = tpu.memref_slice %arg3[%dma_start3A_1097, %multiple_of3A_1096] : memref<64x1000000xf32, #tpu.memory_space<hbm>> -> memref<64x128xf32, #tpu.memory_space<hbm>>
        %dma_start3A_1099 = arith.constant 0 : i32
        %dma_start3A_1100 = tpu.memref_slice %arg3[%dma_start3A_1099, %multiple_of3A_1096] : memref<64x1000000xf32, #tpu.memory_space<hbm>> -> memref<64x128xf32, #tpu.memory_space<hbm>>
        tpu.enqueue_dma source(%dma_start3A_1100 : memref<64x128xf32, #tpu.memory_space<hbm>>) target(%arg9 : memref<64x128xf32, #tpu.memory_space<vmem>>) target_semaphore(%arg17 : memref<!tpu.dma_semaphore, #tpu.memory_space<semaphore_mem>>)
      } else {
      }
      %add3A_782 = arith.constant 11 : i32
      %add3A_783 = arith.addi %mul3A_100, %add3A_782 : i32
      %dma_wait3A_784 = arith.constant 0 : i32
      %dma_wait3A_785 = arith.constant 0 : i32
      %dma_wait3A_786 = tpu.memref_slice %arg3[%dma_wait3A_784, %dma_wait3A_785] : memref<64x1000000xf32, #tpu.memory_space<hbm>> -> memref<64x128xf32, #tpu.memory_space<hbm>>
      %dma_wait3A_787 = arith.constant 0 : i32
      %dma_wait3A_788 = arith.constant 0 : i32
      %dma_wait3A_789 = tpu.memref_slice %arg3[%dma_wait3A_787, %dma_wait3A_788] : memref<64x1000000xf32, #tpu.memory_space<hbm>> -> memref<64x128xf32, #tpu.memory_space<hbm>>
      tpu.wait_dma2 semaphore(%arg18 : memref<!tpu.dma_semaphore, #tpu.memory_space<semaphore_mem>>) src(%dma_wait3A_789 : memref<64x128xf32, #tpu.memory_space<hbm>>) dst(%arg10 : memref<64x128xf32, #tpu.memory_space<vmem>>)
      %slice3A_790 = vector.extract_strided_slice %get3A_102 {offsets = [11], sizes = [1], strides = [1]} : vector<16xi32> to vector<1xi32>
      %squeeze3A_791 = vector.extract %slice3A_790[0] : i32 from vector<1xi32>
      %and3A_792 = arith.constant 127 : i32
      %and3A_793 = arith.andi %squeeze3A_791, %and3A_792 : i32
      %broadcast_in_dim3A_794 = vector.broadcast %and3A_793 : i32 to vector<16xi32>
      %add3A_795 = arith.constant 0 : i32
      %add3A_796 = vector.broadcast %add3A_795 : i32 to vector<16xi32>
      %add3A_797 = arith.addi %add3A_796, %iota3A : vector<16xi32>
      %gather3A_798 = tpu.vector_load_idx %arg10[%add3A_797, %broadcast_in_dim3A_794] : memref<64x128xf32, #tpu.memory_space<vmem>>[vector<16xi32>, vector<16xi32>], vector<16xf32>,
      %mul3A_799 = arith.constant 8.000000e+00 : f32
      %mul3A_800 = vector.broadcast %mul3A_799 : f32 to vector<16xf32>
      %mul3A_801 = arith.mulf %gather3A_798, %mul3A_800 : vector<16xf32>
      %swap3A_802 = arith.index_cast %add3A_783 : i32 to index
      %swap3A_803 = arith.constant 0 : index
      %swap3A_804 = tpu.vector_load %arg6[%swap3A_802, %swap3A_803] {strides = array<i32>} : memref<256x128xf32, #tpu.memory_space<vmem>>, vector<16xf32>,
      tpu.vector_store %arg6[%swap3A_802, %swap3A_803], %mul3A_801 {strides = array<i32>} : memref<256x128xf32, #tpu.memory_space<vmem>>, vector<16xf32>,
      %add3A_805 = arith.constant 16 : i32
      %add3A_806 = vector.broadcast %add3A_805 : i32 to vector<16xi32>
      %add3A_807 = arith.addi %add3A_806, %iota3A : vector<16xi32>
      %gather3A_808 = tpu.vector_load_idx %arg10[%add3A_807, %broadcast_in_dim3A_794] : memref<64x128xf32, #tpu.memory_space<vmem>>[vector<16xi32>, vector<16xi32>], vector<16xf32>,
      %mul3A_809 = arith.constant 8.000000e+00 : f32
      %mul3A_810 = vector.broadcast %mul3A_809 : f32 to vector<16xf32>
      %mul3A_811 = arith.mulf %gather3A_808, %mul3A_810 : vector<16xf32>
      %swap3A_812 = arith.index_cast %add3A_783 : i32 to index
      %swap3A_813 = arith.constant 16 : index
      %swap3A_814 = tpu.vector_load %arg6[%swap3A_812, %swap3A_813] {strides = array<i32>} : memref<256x128xf32, #tpu.memory_space<vmem>>, vector<16xf32>,
      tpu.vector_store %arg6[%swap3A_812, %swap3A_813], %mul3A_811 {strides = array<i32>} : memref<256x128xf32, #tpu.memory_space<vmem>>, vector<16xf32>,
      %add3A_815 = arith.constant 32 : i32
      %add3A_816 = vector.broadcast %add3A_815 : i32 to vector<16xi32>
      %add3A_817 = arith.addi %add3A_816, %iota3A : vector<16xi32>
      %gather3A_818 = tpu.vector_load_idx %arg10[%add3A_817, %broadcast_in_dim3A_794] : memref<64x128xf32, #tpu.memory_space<vmem>>[vector<16xi32>, vector<16xi32>], vector<16xf32>,
      %mul3A_819 = arith.constant 8.000000e+00 : f32
      %mul3A_820 = vector.broadcast %mul3A_819 : f32 to vector<16xf32>
      %mul3A_821 = arith.mulf %gather3A_818, %mul3A_820 : vector<16xf32>
      %swap3A_822 = arith.index_cast %add3A_783 : i32 to index
      %swap3A_823 = arith.constant 32 : index
      %swap3A_824 = tpu.vector_load %arg6[%swap3A_822, %swap3A_823] {strides = array<i32>} : memref<256x128xf32, #tpu.memory_space<vmem>>, vector<16xf32>,
      tpu.vector_store %arg6[%swap3A_822, %swap3A_823], %mul3A_821 {strides = array<i32>} : memref<256x128xf32, #tpu.memory_space<vmem>>, vector<16xf32>,
      %add3A_825 = arith.constant 48 : i32
      %add3A_826 = vector.broadcast %add3A_825 : i32 to vector<16xi32>
      %add3A_827 = arith.addi %add3A_826, %iota3A : vector<16xi32>
      %gather3A_828 = tpu.vector_load_idx %arg10[%add3A_827, %broadcast_in_dim3A_794] : memref<64x128xf32, #tpu.memory_space<vmem>>[vector<16xi32>, vector<16xi32>], vector<16xf32>,
      %mul3A_829 = arith.constant 8.000000e+00 : f32
      %mul3A_830 = vector.broadcast %mul3A_829 : f32 to vector<16xf32>
      %mul3A_831 = arith.mulf %gather3A_828, %mul3A_830 : vector<16xf32>
      %swap3A_832 = arith.index_cast %add3A_783 : i32 to index
      %swap3A_833 = arith.constant 48 : index
      %swap3A_834 = tpu.vector_load %arg6[%swap3A_832, %swap3A_833] {strides = array<i32>} : memref<256x128xf32, #tpu.memory_space<vmem>>, vector<16xf32>,
      tpu.vector_store %arg6[%swap3A_832, %swap3A_833], %mul3A_831 {strides = array<i32>} : memref<256x128xf32, #tpu.memory_space<vmem>>, vector<16xf32>,
      %slice3A_835 = vector.extract_strided_slice %get3A_106 {offsets = [3], sizes = [1], strides = [1]} : vector<16xi32> to vector<1xi32>
      %squeeze3A_836 = vector.extract %slice3A_835[0] : i32 from vector<1xi32>
      %add3A_837 = arith.constant 8 : i32
      %add3A_838 = arith.addi %add3A_783, %add3A_837 : i32
      %lt3A_839 = arith.constant 256 : i32
      %lt3A_840 = arith.cmpi slt, %add3A_838, %lt3A_839 : i32
      %convert_element_type3A_841 = arith.extui %lt3A_840 : i1 to i32
      %cond3A_842 = arith.constant 0 : i32
      %cond3A_843 = arith.cmpi ne, %convert_element_type3A_841, %cond3A_842 : i32
      scf.if %cond3A_843 {
        %shift_right_arithmetic3A_1092 = arith.constant 7 : i32
        %shift_right_arithmetic3A_1093 = arith.shrsi %squeeze3A_836, %shift_right_arithmetic3A_1092 : i32
        %shift_left3A_1094 = arith.constant 7 : i32
        %shift_left3A_1095 = arith.shli %shift_right_arithmetic3A_1093, %shift_left3A_1094 : i32
        %multiple_of3A_1096 = tpu.assume_multiple %shift_left3A_1095, 128 : i32
        %dma_start3A_1097 = arith.constant 0 : i32
        %dma_start3A_1098 = tpu.memref_slice %arg3[%dma_start3A_1097, %multiple_of3A_1096] : memref<64x1000000xf32, #tpu.memory_space<hbm>> -> memref<64x128xf32, #tpu.memory_space<hbm>>
        %dma_start3A_1099 = arith.constant 0 : i32
        %dma_start3A_1100 = tpu.memref_slice %arg3[%dma_start3A_1099, %multiple_of3A_1096] : memref<64x1000000xf32, #tpu.memory_space<hbm>> -> memref<64x128xf32, #tpu.memory_space<hbm>>
        tpu.enqueue_dma source(%dma_start3A_1100 : memref<64x128xf32, #tpu.memory_space<hbm>>) target(%arg10 : memref<64x128xf32, #tpu.memory_space<vmem>>) target_semaphore(%arg18 : memref<!tpu.dma_semaphore, #tpu.memory_space<semaphore_mem>>)
      } else {
      }
      %add3A_844 = arith.constant 12 : i32
      %add3A_845 = arith.addi %mul3A_100, %add3A_844 : i32
      %dma_wait3A_846 = arith.constant 0 : i32
      %dma_wait3A_847 = arith.constant 0 : i32
      %dma_wait3A_848 = tpu.memref_slice %arg3[%dma_wait3A_846, %dma_wait3A_847] : memref<64x1000000xf32, #tpu.memory_space<hbm>> -> memref<64x128xf32, #tpu.memory_space<hbm>>
      %dma_wait3A_849 = arith.constant 0 : i32
      %dma_wait3A_850 = arith.constant 0 : i32
      %dma_wait3A_851 = tpu.memref_slice %arg3[%dma_wait3A_849, %dma_wait3A_850] : memref<64x1000000xf32, #tpu.memory_space<hbm>> -> memref<64x128xf32, #tpu.memory_space<hbm>>
      tpu.wait_dma2 semaphore(%arg19 : memref<!tpu.dma_semaphore, #tpu.memory_space<semaphore_mem>>) src(%dma_wait3A_851 : memref<64x128xf32, #tpu.memory_space<hbm>>) dst(%arg11 : memref<64x128xf32, #tpu.memory_space<vmem>>)
      %slice3A_852 = vector.extract_strided_slice %get3A_102 {offsets = [12], sizes = [1], strides = [1]} : vector<16xi32> to vector<1xi32>
      %squeeze3A_853 = vector.extract %slice3A_852[0] : i32 from vector<1xi32>
      %and3A_854 = arith.constant 127 : i32
      %and3A_855 = arith.andi %squeeze3A_853, %and3A_854 : i32
      %broadcast_in_dim3A_856 = vector.broadcast %and3A_855 : i32 to vector<16xi32>
      %add3A_857 = arith.constant 0 : i32
      %add3A_858 = vector.broadcast %add3A_857 : i32 to vector<16xi32>
      %add3A_859 = arith.addi %add3A_858, %iota3A : vector<16xi32>
      %gather3A_860 = tpu.vector_load_idx %arg11[%add3A_859, %broadcast_in_dim3A_856] : memref<64x128xf32, #tpu.memory_space<vmem>>[vector<16xi32>, vector<16xi32>], vector<16xf32>,
      %mul3A_861 = arith.constant 8.000000e+00 : f32
      %mul3A_862 = vector.broadcast %mul3A_861 : f32 to vector<16xf32>
      %mul3A_863 = arith.mulf %gather3A_860, %mul3A_862 : vector<16xf32>
      %swap3A_864 = arith.index_cast %add3A_845 : i32 to index
      %swap3A_865 = arith.constant 0 : index
      %swap3A_866 = tpu.vector_load %arg6[%swap3A_864, %swap3A_865] {strides = array<i32>} : memref<256x128xf32, #tpu.memory_space<vmem>>, vector<16xf32>,
      tpu.vector_store %arg6[%swap3A_864, %swap3A_865], %mul3A_863 {strides = array<i32>} : memref<256x128xf32, #tpu.memory_space<vmem>>, vector<16xf32>,
      %add3A_867 = arith.constant 16 : i32
      %add3A_868 = vector.broadcast %add3A_867 : i32 to vector<16xi32>
      %add3A_869 = arith.addi %add3A_868, %iota3A : vector<16xi32>
      %gather3A_870 = tpu.vector_load_idx %arg11[%add3A_869, %broadcast_in_dim3A_856] : memref<64x128xf32, #tpu.memory_space<vmem>>[vector<16xi32>, vector<16xi32>], vector<16xf32>,
      %mul3A_871 = arith.constant 8.000000e+00 : f32
      %mul3A_872 = vector.broadcast %mul3A_871 : f32 to vector<16xf32>
      %mul3A_873 = arith.mulf %gather3A_870, %mul3A_872 : vector<16xf32>
      %swap3A_874 = arith.index_cast %add3A_845 : i32 to index
      %swap3A_875 = arith.constant 16 : index
      %swap3A_876 = tpu.vector_load %arg6[%swap3A_874, %swap3A_875] {strides = array<i32>} : memref<256x128xf32, #tpu.memory_space<vmem>>, vector<16xf32>,
      tpu.vector_store %arg6[%swap3A_874, %swap3A_875], %mul3A_873 {strides = array<i32>} : memref<256x128xf32, #tpu.memory_space<vmem>>, vector<16xf32>,
      %add3A_877 = arith.constant 32 : i32
      %add3A_878 = vector.broadcast %add3A_877 : i32 to vector<16xi32>
      %add3A_879 = arith.addi %add3A_878, %iota3A : vector<16xi32>
      %gather3A_880 = tpu.vector_load_idx %arg11[%add3A_879, %broadcast_in_dim3A_856] : memref<64x128xf32, #tpu.memory_space<vmem>>[vector<16xi32>, vector<16xi32>], vector<16xf32>,
      %mul3A_881 = arith.constant 8.000000e+00 : f32
      %mul3A_882 = vector.broadcast %mul3A_881 : f32 to vector<16xf32>
      %mul3A_883 = arith.mulf %gather3A_880, %mul3A_882 : vector<16xf32>
      %swap3A_884 = arith.index_cast %add3A_845 : i32 to index
      %swap3A_885 = arith.constant 32 : index
      %swap3A_886 = tpu.vector_load %arg6[%swap3A_884, %swap3A_885] {strides = array<i32>} : memref<256x128xf32, #tpu.memory_space<vmem>>, vector<16xf32>,
      tpu.vector_store %arg6[%swap3A_884, %swap3A_885], %mul3A_883 {strides = array<i32>} : memref<256x128xf32, #tpu.memory_space<vmem>>, vector<16xf32>,
      %add3A_887 = arith.constant 48 : i32
      %add3A_888 = vector.broadcast %add3A_887 : i32 to vector<16xi32>
      %add3A_889 = arith.addi %add3A_888, %iota3A : vector<16xi32>
      %gather3A_890 = tpu.vector_load_idx %arg11[%add3A_889, %broadcast_in_dim3A_856] : memref<64x128xf32, #tpu.memory_space<vmem>>[vector<16xi32>, vector<16xi32>], vector<16xf32>,
      %mul3A_891 = arith.constant 8.000000e+00 : f32
      %mul3A_892 = vector.broadcast %mul3A_891 : f32 to vector<16xf32>
      %mul3A_893 = arith.mulf %gather3A_890, %mul3A_892 : vector<16xf32>
      %swap3A_894 = arith.index_cast %add3A_845 : i32 to index
      %swap3A_895 = arith.constant 48 : index
      %swap3A_896 = tpu.vector_load %arg6[%swap3A_894, %swap3A_895] {strides = array<i32>} : memref<256x128xf32, #tpu.memory_space<vmem>>, vector<16xf32>,
      tpu.vector_store %arg6[%swap3A_894, %swap3A_895], %mul3A_893 {strides = array<i32>} : memref<256x128xf32, #tpu.memory_space<vmem>>, vector<16xf32>,
      %slice3A_897 = vector.extract_strided_slice %get3A_106 {offsets = [4], sizes = [1], strides = [1]} : vector<16xi32> to vector<1xi32>
      %squeeze3A_898 = vector.extract %slice3A_897[0] : i32 from vector<1xi32>
      %add3A_899 = arith.constant 8 : i32
      %add3A_900 = arith.addi %add3A_845, %add3A_899 : i32
      %lt3A_901 = arith.constant 256 : i32
      %lt3A_902 = arith.cmpi slt, %add3A_900, %lt3A_901 : i32
      %convert_element_type3A_903 = arith.extui %lt3A_902 : i1 to i32
      %cond3A_904 = arith.constant 0 : i32
      %cond3A_905 = arith.cmpi ne, %convert_element_type3A_903, %cond3A_904 : i32
      scf.if %cond3A_905 {
        %shift_right_arithmetic3A_1092 = arith.constant 7 : i32
        %shift_right_arithmetic3A_1093 = arith.shrsi %squeeze3A_898, %shift_right_arithmetic3A_1092 : i32
        %shift_left3A_1094 = arith.constant 7 : i32
        %shift_left3A_1095 = arith.shli %shift_right_arithmetic3A_1093, %shift_left3A_1094 : i32
        %multiple_of3A_1096 = tpu.assume_multiple %shift_left3A_1095, 128 : i32
        %dma_start3A_1097 = arith.constant 0 : i32
        %dma_start3A_1098 = tpu.memref_slice %arg3[%dma_start3A_1097, %multiple_of3A_1096] : memref<64x1000000xf32, #tpu.memory_space<hbm>> -> memref<64x128xf32, #tpu.memory_space<hbm>>
        %dma_start3A_1099 = arith.constant 0 : i32
        %dma_start3A_1100 = tpu.memref_slice %arg3[%dma_start3A_1099, %multiple_of3A_1096] : memref<64x1000000xf32, #tpu.memory_space<hbm>> -> memref<64x128xf32, #tpu.memory_space<hbm>>
        tpu.enqueue_dma source(%dma_start3A_1100 : memref<64x128xf32, #tpu.memory_space<hbm>>) target(%arg11 : memref<64x128xf32, #tpu.memory_space<vmem>>) target_semaphore(%arg19 : memref<!tpu.dma_semaphore, #tpu.memory_space<semaphore_mem>>)
      } else {
      }
      %add3A_906 = arith.constant 13 : i32
      %add3A_907 = arith.addi %mul3A_100, %add3A_906 : i32
      %dma_wait3A_908 = arith.constant 0 : i32
      %dma_wait3A_909 = arith.constant 0 : i32
      %dma_wait3A_910 = tpu.memref_slice %arg3[%dma_wait3A_908, %dma_wait3A_909] : memref<64x1000000xf32, #tpu.memory_space<hbm>> -> memref<64x128xf32, #tpu.memory_space<hbm>>
      %dma_wait3A_911 = arith.constant 0 : i32
      %dma_wait3A_912 = arith.constant 0 : i32
      %dma_wait3A_913 = tpu.memref_slice %arg3[%dma_wait3A_911, %dma_wait3A_912] : memref<64x1000000xf32, #tpu.memory_space<hbm>> -> memref<64x128xf32, #tpu.memory_space<hbm>>
      tpu.wait_dma2 semaphore(%arg20 : memref<!tpu.dma_semaphore, #tpu.memory_space<semaphore_mem>>) src(%dma_wait3A_913 : memref<64x128xf32, #tpu.memory_space<hbm>>) dst(%arg12 : memref<64x128xf32, #tpu.memory_space<vmem>>)
      %slice3A_914 = vector.extract_strided_slice %get3A_102 {offsets = [13], sizes = [1], strides = [1]} : vector<16xi32> to vector<1xi32>
      %squeeze3A_915 = vector.extract %slice3A_914[0] : i32 from vector<1xi32>
      %and3A_916 = arith.constant 127 : i32
      %and3A_917 = arith.andi %squeeze3A_915, %and3A_916 : i32
      %broadcast_in_dim3A_918 = vector.broadcast %and3A_917 : i32 to vector<16xi32>
      %add3A_919 = arith.constant 0 : i32
      %add3A_920 = vector.broadcast %add3A_919 : i32 to vector<16xi32>
      %add3A_921 = arith.addi %add3A_920, %iota3A : vector<16xi32>
      %gather3A_922 = tpu.vector_load_idx %arg12[%add3A_921, %broadcast_in_dim3A_918] : memref<64x128xf32, #tpu.memory_space<vmem>>[vector<16xi32>, vector<16xi32>], vector<16xf32>,
      %mul3A_923 = arith.constant 8.000000e+00 : f32
      %mul3A_924 = vector.broadcast %mul3A_923 : f32 to vector<16xf32>
      %mul3A_925 = arith.mulf %gather3A_922, %mul3A_924 : vector<16xf32>
      %swap3A_926 = arith.index_cast %add3A_907 : i32 to index
      %swap3A_927 = arith.constant 0 : index
      %swap3A_928 = tpu.vector_load %arg6[%swap3A_926, %swap3A_927] {strides = array<i32>} : memref<256x128xf32, #tpu.memory_space<vmem>>, vector<16xf32>,
      tpu.vector_store %arg6[%swap3A_926, %swap3A_927], %mul3A_925 {strides = array<i32>} : memref<256x128xf32, #tpu.memory_space<vmem>>, vector<16xf32>,
      %add3A_929 = arith.constant 16 : i32
      %add3A_930 = vector.broadcast %add3A_929 : i32 to vector<16xi32>
      %add3A_931 = arith.addi %add3A_930, %iota3A : vector<16xi32>
      %gather3A_932 = tpu.vector_load_idx %arg12[%add3A_931, %broadcast_in_dim3A_918] : memref<64x128xf32, #tpu.memory_space<vmem>>[vector<16xi32>, vector<16xi32>], vector<16xf32>,
      %mul3A_933 = arith.constant 8.000000e+00 : f32
      %mul3A_934 = vector.broadcast %mul3A_933 : f32 to vector<16xf32>
      %mul3A_935 = arith.mulf %gather3A_932, %mul3A_934 : vector<16xf32>
      %swap3A_936 = arith.index_cast %add3A_907 : i32 to index
      %swap3A_937 = arith.constant 16 : index
      %swap3A_938 = tpu.vector_load %arg6[%swap3A_936, %swap3A_937] {strides = array<i32>} : memref<256x128xf32, #tpu.memory_space<vmem>>, vector<16xf32>,
      tpu.vector_store %arg6[%swap3A_936, %swap3A_937], %mul3A_935 {strides = array<i32>} : memref<256x128xf32, #tpu.memory_space<vmem>>, vector<16xf32>,
      %add3A_939 = arith.constant 32 : i32
      %add3A_940 = vector.broadcast %add3A_939 : i32 to vector<16xi32>
      %add3A_941 = arith.addi %add3A_940, %iota3A : vector<16xi32>
      %gather3A_942 = tpu.vector_load_idx %arg12[%add3A_941, %broadcast_in_dim3A_918] : memref<64x128xf32, #tpu.memory_space<vmem>>[vector<16xi32>, vector<16xi32>], vector<16xf32>,
      %mul3A_943 = arith.constant 8.000000e+00 : f32
      %mul3A_944 = vector.broadcast %mul3A_943 : f32 to vector<16xf32>
      %mul3A_945 = arith.mulf %gather3A_942, %mul3A_944 : vector<16xf32>
      %swap3A_946 = arith.index_cast %add3A_907 : i32 to index
      %swap3A_947 = arith.constant 32 : index
      %swap3A_948 = tpu.vector_load %arg6[%swap3A_946, %swap3A_947] {strides = array<i32>} : memref<256x128xf32, #tpu.memory_space<vmem>>, vector<16xf32>,
      tpu.vector_store %arg6[%swap3A_946, %swap3A_947], %mul3A_945 {strides = array<i32>} : memref<256x128xf32, #tpu.memory_space<vmem>>, vector<16xf32>,
      %add3A_949 = arith.constant 48 : i32
      %add3A_950 = vector.broadcast %add3A_949 : i32 to vector<16xi32>
      %add3A_951 = arith.addi %add3A_950, %iota3A : vector<16xi32>
      %gather3A_952 = tpu.vector_load_idx %arg12[%add3A_951, %broadcast_in_dim3A_918] : memref<64x128xf32, #tpu.memory_space<vmem>>[vector<16xi32>, vector<16xi32>], vector<16xf32>,
      %mul3A_953 = arith.constant 8.000000e+00 : f32
      %mul3A_954 = vector.broadcast %mul3A_953 : f32 to vector<16xf32>
      %mul3A_955 = arith.mulf %gather3A_952, %mul3A_954 : vector<16xf32>
      %swap3A_956 = arith.index_cast %add3A_907 : i32 to index
      %swap3A_957 = arith.constant 48 : index
      %swap3A_958 = tpu.vector_load %arg6[%swap3A_956, %swap3A_957] {strides = array<i32>} : memref<256x128xf32, #tpu.memory_space<vmem>>, vector<16xf32>,
      tpu.vector_store %arg6[%swap3A_956, %swap3A_957], %mul3A_955 {strides = array<i32>} : memref<256x128xf32, #tpu.memory_space<vmem>>, vector<16xf32>,
      %slice3A_959 = vector.extract_strided_slice %get3A_106 {offsets = [5], sizes = [1], strides = [1]} : vector<16xi32> to vector<1xi32>
      %squeeze3A_960 = vector.extract %slice3A_959[0] : i32 from vector<1xi32>
      %add3A_961 = arith.constant 8 : i32
      %add3A_962 = arith.addi %add3A_907, %add3A_961 : i32
      %lt3A_963 = arith.constant 256 : i32
      %lt3A_964 = arith.cmpi slt, %add3A_962, %lt3A_963 : i32
      %convert_element_type3A_965 = arith.extui %lt3A_964 : i1 to i32
      %cond3A_966 = arith.constant 0 : i32
      %cond3A_967 = arith.cmpi ne, %convert_element_type3A_965, %cond3A_966 : i32
      scf.if %cond3A_967 {
        %shift_right_arithmetic3A_1092 = arith.constant 7 : i32
        %shift_right_arithmetic3A_1093 = arith.shrsi %squeeze3A_960, %shift_right_arithmetic3A_1092 : i32
        %shift_left3A_1094 = arith.constant 7 : i32
        %shift_left3A_1095 = arith.shli %shift_right_arithmetic3A_1093, %shift_left3A_1094 : i32
        %multiple_of3A_1096 = tpu.assume_multiple %shift_left3A_1095, 128 : i32
        %dma_start3A_1097 = arith.constant 0 : i32
        %dma_start3A_1098 = tpu.memref_slice %arg3[%dma_start3A_1097, %multiple_of3A_1096] : memref<64x1000000xf32, #tpu.memory_space<hbm>> -> memref<64x128xf32, #tpu.memory_space<hbm>>
        %dma_start3A_1099 = arith.constant 0 : i32
        %dma_start3A_1100 = tpu.memref_slice %arg3[%dma_start3A_1099, %multiple_of3A_1096] : memref<64x1000000xf32, #tpu.memory_space<hbm>> -> memref<64x128xf32, #tpu.memory_space<hbm>>
        tpu.enqueue_dma source(%dma_start3A_1100 : memref<64x128xf32, #tpu.memory_space<hbm>>) target(%arg12 : memref<64x128xf32, #tpu.memory_space<vmem>>) target_semaphore(%arg20 : memref<!tpu.dma_semaphore, #tpu.memory_space<semaphore_mem>>)
      } else {
      }
      %add3A_968 = arith.constant 14 : i32
      %add3A_969 = arith.addi %mul3A_100, %add3A_968 : i32
      %dma_wait3A_970 = arith.constant 0 : i32
      %dma_wait3A_971 = arith.constant 0 : i32
      %dma_wait3A_972 = tpu.memref_slice %arg3[%dma_wait3A_970, %dma_wait3A_971] : memref<64x1000000xf32, #tpu.memory_space<hbm>> -> memref<64x128xf32, #tpu.memory_space<hbm>>
      %dma_wait3A_973 = arith.constant 0 : i32
      %dma_wait3A_974 = arith.constant 0 : i32
      %dma_wait3A_975 = tpu.memref_slice %arg3[%dma_wait3A_973, %dma_wait3A_974] : memref<64x1000000xf32, #tpu.memory_space<hbm>> -> memref<64x128xf32, #tpu.memory_space<hbm>>
      tpu.wait_dma2 semaphore(%arg21 : memref<!tpu.dma_semaphore, #tpu.memory_space<semaphore_mem>>) src(%dma_wait3A_975 : memref<64x128xf32, #tpu.memory_space<hbm>>) dst(%arg13 : memref<64x128xf32, #tpu.memory_space<vmem>>)
      %slice3A_976 = vector.extract_strided_slice %get3A_102 {offsets = [14], sizes = [1], strides = [1]} : vector<16xi32> to vector<1xi32>
      %squeeze3A_977 = vector.extract %slice3A_976[0] : i32 from vector<1xi32>
      %and3A_978 = arith.constant 127 : i32
      %and3A_979 = arith.andi %squeeze3A_977, %and3A_978 : i32
      %broadcast_in_dim3A_980 = vector.broadcast %and3A_979 : i32 to vector<16xi32>
      %add3A_981 = arith.constant 0 : i32
      %add3A_982 = vector.broadcast %add3A_981 : i32 to vector<16xi32>
      %add3A_983 = arith.addi %add3A_982, %iota3A : vector<16xi32>
      %gather3A_984 = tpu.vector_load_idx %arg13[%add3A_983, %broadcast_in_dim3A_980] : memref<64x128xf32, #tpu.memory_space<vmem>>[vector<16xi32>, vector<16xi32>], vector<16xf32>,
      %mul3A_985 = arith.constant 8.000000e+00 : f32
      %mul3A_986 = vector.broadcast %mul3A_985 : f32 to vector<16xf32>
      %mul3A_987 = arith.mulf %gather3A_984, %mul3A_986 : vector<16xf32>
      %swap3A_988 = arith.index_cast %add3A_969 : i32 to index
      %swap3A_989 = arith.constant 0 : index
      %swap3A_990 = tpu.vector_load %arg6[%swap3A_988, %swap3A_989] {strides = array<i32>} : memref<256x128xf32, #tpu.memory_space<vmem>>, vector<16xf32>,
      tpu.vector_store %arg6[%swap3A_988, %swap3A_989], %mul3A_987 {strides = array<i32>} : memref<256x128xf32, #tpu.memory_space<vmem>>, vector<16xf32>,
      %add3A_991 = arith.constant 16 : i32
      %add3A_992 = vector.broadcast %add3A_991 : i32 to vector<16xi32>
      %add3A_993 = arith.addi %add3A_992, %iota3A : vector<16xi32>
      %gather3A_994 = tpu.vector_load_idx %arg13[%add3A_993, %broadcast_in_dim3A_980] : memref<64x128xf32, #tpu.memory_space<vmem>>[vector<16xi32>, vector<16xi32>], vector<16xf32>,
      %mul3A_995 = arith.constant 8.000000e+00 : f32
      %mul3A_996 = vector.broadcast %mul3A_995 : f32 to vector<16xf32>
      %mul3A_997 = arith.mulf %gather3A_994, %mul3A_996 : vector<16xf32>
      %swap3A_998 = arith.index_cast %add3A_969 : i32 to index
      %swap3A_999 = arith.constant 16 : index
      %swap3A_1000 = tpu.vector_load %arg6[%swap3A_998, %swap3A_999] {strides = array<i32>} : memref<256x128xf32, #tpu.memory_space<vmem>>, vector<16xf32>,
      tpu.vector_store %arg6[%swap3A_998, %swap3A_999], %mul3A_997 {strides = array<i32>} : memref<256x128xf32, #tpu.memory_space<vmem>>, vector<16xf32>,
      %add3A_1001 = arith.constant 32 : i32
      %add3A_1002 = vector.broadcast %add3A_1001 : i32 to vector<16xi32>
      %add3A_1003 = arith.addi %add3A_1002, %iota3A : vector<16xi32>
      %gather3A_1004 = tpu.vector_load_idx %arg13[%add3A_1003, %broadcast_in_dim3A_980] : memref<64x128xf32, #tpu.memory_space<vmem>>[vector<16xi32>, vector<16xi32>], vector<16xf32>,
      %mul3A_1005 = arith.constant 8.000000e+00 : f32
      %mul3A_1006 = vector.broadcast %mul3A_1005 : f32 to vector<16xf32>
      %mul3A_1007 = arith.mulf %gather3A_1004, %mul3A_1006 : vector<16xf32>
      %swap3A_1008 = arith.index_cast %add3A_969 : i32 to index
      %swap3A_1009 = arith.constant 32 : index
      %swap3A_1010 = tpu.vector_load %arg6[%swap3A_1008, %swap3A_1009] {strides = array<i32>} : memref<256x128xf32, #tpu.memory_space<vmem>>, vector<16xf32>,
      tpu.vector_store %arg6[%swap3A_1008, %swap3A_1009], %mul3A_1007 {strides = array<i32>} : memref<256x128xf32, #tpu.memory_space<vmem>>, vector<16xf32>,
      %add3A_1011 = arith.constant 48 : i32
      %add3A_1012 = vector.broadcast %add3A_1011 : i32 to vector<16xi32>
      %add3A_1013 = arith.addi %add3A_1012, %iota3A : vector<16xi32>
      %gather3A_1014 = tpu.vector_load_idx %arg13[%add3A_1013, %broadcast_in_dim3A_980] : memref<64x128xf32, #tpu.memory_space<vmem>>[vector<16xi32>, vector<16xi32>], vector<16xf32>,
      %mul3A_1015 = arith.constant 8.000000e+00 : f32
      %mul3A_1016 = vector.broadcast %mul3A_1015 : f32 to vector<16xf32>
      %mul3A_1017 = arith.mulf %gather3A_1014, %mul3A_1016 : vector<16xf32>
      %swap3A_1018 = arith.index_cast %add3A_969 : i32 to index
      %swap3A_1019 = arith.constant 48 : index
      %swap3A_1020 = tpu.vector_load %arg6[%swap3A_1018, %swap3A_1019] {strides = array<i32>} : memref<256x128xf32, #tpu.memory_space<vmem>>, vector<16xf32>,
      tpu.vector_store %arg6[%swap3A_1018, %swap3A_1019], %mul3A_1017 {strides = array<i32>} : memref<256x128xf32, #tpu.memory_space<vmem>>, vector<16xf32>,
      %slice3A_1021 = vector.extract_strided_slice %get3A_106 {offsets = [6], sizes = [1], strides = [1]} : vector<16xi32> to vector<1xi32>
      %squeeze3A_1022 = vector.extract %slice3A_1021[0] : i32 from vector<1xi32>
      %add3A_1023 = arith.constant 8 : i32
      %add3A_1024 = arith.addi %add3A_969, %add3A_1023 : i32
      %lt3A_1025 = arith.constant 256 : i32
      %lt3A_1026 = arith.cmpi slt, %add3A_1024, %lt3A_1025 : i32
      %convert_element_type3A_1027 = arith.extui %lt3A_1026 : i1 to i32
      %cond3A_1028 = arith.constant 0 : i32
      %cond3A_1029 = arith.cmpi ne, %convert_element_type3A_1027, %cond3A_1028 : i32
      scf.if %cond3A_1029 {
        %shift_right_arithmetic3A_1092 = arith.constant 7 : i32
        %shift_right_arithmetic3A_1093 = arith.shrsi %squeeze3A_1022, %shift_right_arithmetic3A_1092 : i32
        %shift_left3A_1094 = arith.constant 7 : i32
        %shift_left3A_1095 = arith.shli %shift_right_arithmetic3A_1093, %shift_left3A_1094 : i32
        %multiple_of3A_1096 = tpu.assume_multiple %shift_left3A_1095, 128 : i32
        %dma_start3A_1097 = arith.constant 0 : i32
        %dma_start3A_1098 = tpu.memref_slice %arg3[%dma_start3A_1097, %multiple_of3A_1096] : memref<64x1000000xf32, #tpu.memory_space<hbm>> -> memref<64x128xf32, #tpu.memory_space<hbm>>
        %dma_start3A_1099 = arith.constant 0 : i32
        %dma_start3A_1100 = tpu.memref_slice %arg3[%dma_start3A_1099, %multiple_of3A_1096] : memref<64x1000000xf32, #tpu.memory_space<hbm>> -> memref<64x128xf32, #tpu.memory_space<hbm>>
        tpu.enqueue_dma source(%dma_start3A_1100 : memref<64x128xf32, #tpu.memory_space<hbm>>) target(%arg13 : memref<64x128xf32, #tpu.memory_space<vmem>>) target_semaphore(%arg21 : memref<!tpu.dma_semaphore, #tpu.memory_space<semaphore_mem>>)
      } else {
      }
      %add3A_1030 = arith.constant 15 : i32
      %add3A_1031 = arith.addi %mul3A_100, %add3A_1030 : i32
      %dma_wait3A_1032 = arith.constant 0 : i32
      %dma_wait3A_1033 = arith.constant 0 : i32
      %dma_wait3A_1034 = tpu.memref_slice %arg3[%dma_wait3A_1032, %dma_wait3A_1033] : memref<64x1000000xf32, #tpu.memory_space<hbm>> -> memref<64x128xf32, #tpu.memory_space<hbm>>
      %dma_wait3A_1035 = arith.constant 0 : i32
      %dma_wait3A_1036 = arith.constant 0 : i32
      %dma_wait3A_1037 = tpu.memref_slice %arg3[%dma_wait3A_1035, %dma_wait3A_1036] : memref<64x1000000xf32, #tpu.memory_space<hbm>> -> memref<64x128xf32, #tpu.memory_space<hbm>>
      tpu.wait_dma2 semaphore(%arg22 : memref<!tpu.dma_semaphore, #tpu.memory_space<semaphore_mem>>) src(%dma_wait3A_1037 : memref<64x128xf32, #tpu.memory_space<hbm>>) dst(%arg14 : memref<64x128xf32, #tpu.memory_space<vmem>>)
      %slice3A_1038 = vector.extract_strided_slice %get3A_102 {offsets = [15], sizes = [1], strides = [1]} : vector<16xi32> to vector<1xi32>
      %squeeze3A_1039 = vector.extract %slice3A_1038[0] : i32 from vector<1xi32>
      %and3A_1040 = arith.constant 127 : i32
      %and3A_1041 = arith.andi %squeeze3A_1039, %and3A_1040 : i32
      %broadcast_in_dim3A_1042 = vector.broadcast %and3A_1041 : i32 to vector<16xi32>
      %add3A_1043 = arith.constant 0 : i32
      %add3A_1044 = vector.broadcast %add3A_1043 : i32 to vector<16xi32>
      %add3A_1045 = arith.addi %add3A_1044, %iota3A : vector<16xi32>
      %gather3A_1046 = tpu.vector_load_idx %arg14[%add3A_1045, %broadcast_in_dim3A_1042] : memref<64x128xf32, #tpu.memory_space<vmem>>[vector<16xi32>, vector<16xi32>], vector<16xf32>,
      %mul3A_1047 = arith.constant 8.000000e+00 : f32
      %mul3A_1048 = vector.broadcast %mul3A_1047 : f32 to vector<16xf32>
      %mul3A_1049 = arith.mulf %gather3A_1046, %mul3A_1048 : vector<16xf32>
      %swap3A_1050 = arith.index_cast %add3A_1031 : i32 to index
      %swap3A_1051 = arith.constant 0 : index
      %swap3A_1052 = tpu.vector_load %arg6[%swap3A_1050, %swap3A_1051] {strides = array<i32>} : memref<256x128xf32, #tpu.memory_space<vmem>>, vector<16xf32>,
      tpu.vector_store %arg6[%swap3A_1050, %swap3A_1051], %mul3A_1049 {strides = array<i32>} : memref<256x128xf32, #tpu.memory_space<vmem>>, vector<16xf32>,
      %add3A_1053 = arith.constant 16 : i32
      %add3A_1054 = vector.broadcast %add3A_1053 : i32 to vector<16xi32>
      %add3A_1055 = arith.addi %add3A_1054, %iota3A : vector<16xi32>
      %gather3A_1056 = tpu.vector_load_idx %arg14[%add3A_1055, %broadcast_in_dim3A_1042] : memref<64x128xf32, #tpu.memory_space<vmem>>[vector<16xi32>, vector<16xi32>], vector<16xf32>,
      %mul3A_1057 = arith.constant 8.000000e+00 : f32
      %mul3A_1058 = vector.broadcast %mul3A_1057 : f32 to vector<16xf32>
      %mul3A_1059 = arith.mulf %gather3A_1056, %mul3A_1058 : vector<16xf32>
      %swap3A_1060 = arith.index_cast %add3A_1031 : i32 to index
      %swap3A_1061 = arith.constant 16 : index
      %swap3A_1062 = tpu.vector_load %arg6[%swap3A_1060, %swap3A_1061] {strides = array<i32>} : memref<256x128xf32, #tpu.memory_space<vmem>>, vector<16xf32>,
      tpu.vector_store %arg6[%swap3A_1060, %swap3A_1061], %mul3A_1059 {strides = array<i32>} : memref<256x128xf32, #tpu.memory_space<vmem>>, vector<16xf32>,
      %add3A_1063 = arith.constant 32 : i32
      %add3A_1064 = vector.broadcast %add3A_1063 : i32 to vector<16xi32>
      %add3A_1065 = arith.addi %add3A_1064, %iota3A : vector<16xi32>
      %gather3A_1066 = tpu.vector_load_idx %arg14[%add3A_1065, %broadcast_in_dim3A_1042] : memref<64x128xf32, #tpu.memory_space<vmem>>[vector<16xi32>, vector<16xi32>], vector<16xf32>,
      %mul3A_1067 = arith.constant 8.000000e+00 : f32
      %mul3A_1068 = vector.broadcast %mul3A_1067 : f32 to vector<16xf32>
      %mul3A_1069 = arith.mulf %gather3A_1066, %mul3A_1068 : vector<16xf32>
      %swap3A_1070 = arith.index_cast %add3A_1031 : i32 to index
      %swap3A_1071 = arith.constant 32 : index
      %swap3A_1072 = tpu.vector_load %arg6[%swap3A_1070, %swap3A_1071] {strides = array<i32>} : memref<256x128xf32, #tpu.memory_space<vmem>>, vector<16xf32>,
      tpu.vector_store %arg6[%swap3A_1070, %swap3A_1071], %mul3A_1069 {strides = array<i32>} : memref<256x128xf32, #tpu.memory_space<vmem>>, vector<16xf32>,
      %add3A_1073 = arith.constant 48 : i32
      %add3A_1074 = vector.broadcast %add3A_1073 : i32 to vector<16xi32>
      %add3A_1075 = arith.addi %add3A_1074, %iota3A : vector<16xi32>
      %gather3A_1076 = tpu.vector_load_idx %arg14[%add3A_1075, %broadcast_in_dim3A_1042] : memref<64x128xf32, #tpu.memory_space<vmem>>[vector<16xi32>, vector<16xi32>], vector<16xf32>,
      %mul3A_1077 = arith.constant 8.000000e+00 : f32
      %mul3A_1078 = vector.broadcast %mul3A_1077 : f32 to vector<16xf32>
      %mul3A_1079 = arith.mulf %gather3A_1076, %mul3A_1078 : vector<16xf32>
      %swap3A_1080 = arith.index_cast %add3A_1031 : i32 to index
      %swap3A_1081 = arith.constant 48 : index
      %swap3A_1082 = tpu.vector_load %arg6[%swap3A_1080, %swap3A_1081] {strides = array<i32>} : memref<256x128xf32, #tpu.memory_space<vmem>>, vector<16xf32>,
      tpu.vector_store %arg6[%swap3A_1080, %swap3A_1081], %mul3A_1079 {strides = array<i32>} : memref<256x128xf32, #tpu.memory_space<vmem>>, vector<16xf32>,
      %slice3A_1083 = vector.extract_strided_slice %get3A_106 {offsets = [7], sizes = [1], strides = [1]} : vector<16xi32> to vector<1xi32>
      %squeeze3A_1084 = vector.extract %slice3A_1083[0] : i32 from vector<1xi32>
      %add3A_1085 = arith.constant 8 : i32
      %add3A_1086 = arith.addi %add3A_1031, %add3A_1085 : i32
      %lt3A_1087 = arith.constant 256 : i32
      %lt3A_1088 = arith.cmpi slt, %add3A_1086, %lt3A_1087 : i32
      %convert_element_type3A_1089 = arith.extui %lt3A_1088 : i1 to i32
      %cond3A_1090 = arith.constant 0 : i32
      %cond3A_1091 = arith.cmpi ne, %convert_element_type3A_1089, %cond3A_1090 : i32
      scf.if %cond3A_1091 {
        %shift_right_arithmetic3A_1092 = arith.constant 7 : i32
        %shift_right_arithmetic3A_1093 = arith.shrsi %squeeze3A_1084, %shift_right_arithmetic3A_1092 : i32
        %shift_left3A_1094 = arith.constant 7 : i32
        %shift_left3A_1095 = arith.shli %shift_right_arithmetic3A_1093, %shift_left3A_1094 : i32
        %multiple_of3A_1096 = tpu.assume_multiple %shift_left3A_1095, 128 : i32
        %dma_start3A_1097 = arith.constant 0 : i32
        %dma_start3A_1098 = tpu.memref_slice %arg3[%dma_start3A_1097, %multiple_of3A_1096] : memref<64x1000000xf32, #tpu.memory_space<hbm>> -> memref<64x128xf32, #tpu.memory_space<hbm>>
        %dma_start3A_1099 = arith.constant 0 : i32
        %dma_start3A_1100 = tpu.memref_slice %arg3[%dma_start3A_1099, %multiple_of3A_1096] : memref<64x1000000xf32, #tpu.memory_space<hbm>> -> memref<64x128xf32, #tpu.memory_space<hbm>>
        tpu.enqueue_dma source(%dma_start3A_1100 : memref<64x128xf32, #tpu.memory_space<hbm>>) target(%arg14 : memref<64x128xf32, #tpu.memory_space<vmem>>) target_semaphore(%arg22 : memref<!tpu.dma_semaphore, #tpu.memory_space<semaphore_mem>>)
      } else {
      }
    }
    %scan3A_88 = arith.constant 16 : i32
    %mul3A_89 = arith.constant 256 : i32
    %mul3A_90 = arith.muli %add3A, %mul3A_89 : i32
    %dma_start3A_91 = arith.constant 0 : i32
    %dma_start3A_92 = tpu.memref_slice %arg4[%mul3A_90, %dma_start3A_91] : memref<8192x128xf32, #tpu.memory_space<hbm>> -> memref<256x128xf32, #tpu.memory_space<hbm>>
    %dma_start3A_93 = arith.constant 0 : i32
    %dma_start3A_94 = tpu.memref_slice %arg4[%mul3A_90, %dma_start3A_93] : memref<8192x128xf32, #tpu.memory_space<hbm>> -> memref<256x128xf32, #tpu.memory_space<hbm>>
    tpu.enqueue_dma source(%arg6 : memref<256x128xf32, #tpu.memory_space<vmem>>) target(%dma_start3A_94 : memref<256x128xf32, #tpu.memory_space<hbm>>) target_semaphore(%arg23 : memref<!tpu.dma_semaphore, #tpu.memory_space<semaphore_mem>>)
    %dma_wait3A = arith.constant 0 : i32
    %dma_wait3A_95 = tpu.memref_slice %arg4[%mul3A_90, %dma_wait3A] : memref<8192x128xf32, #tpu.memory_space<hbm>> -> memref<256x128xf32, #tpu.memory_space<hbm>>
    %dma_wait3A_96 = arith.constant 0 : i32
    %dma_wait3A_97 = tpu.memref_slice %arg4[%mul3A_90, %dma_wait3A_96] : memref<8192x128xf32, #tpu.memory_space<hbm>> -> memref<256x128xf32, #tpu.memory_space<hbm>>
    tpu.wait_dma2 semaphore(%arg23 : memref<!tpu.dma_semaphore, #tpu.memory_space<semaphore_mem>>) src(%arg6 : memref<256x128xf32, #tpu.memory_space<vmem>>) dst(%dma_wait3A_97 : memref<256x128xf32, #tpu.memory_space<hbm>>)
    return
  }
}

</mosaic_0001>

<sc_bundles>
// kernel: kernel.3.cloned.1.call-start
scs
__scs_entry_jumppad:
0x0: {  	(pc) =	sbr.rel $0x88, $3  }
0x1: {  	(tag) =	ssettag $0x0;
	lr =	simm.s32 $0x1  }
0x2: {  	[smem:$0x3F9F] =	sst lr;
	_ =	strace $0xD0000000  }
0x3: {  	_ = 	snop  }
0x4: {  	_ = 	snop  }
0x5: {  	_ = 	snop  }
0x6: {  	_ = 	snop  }
0x7: {  	_ = 	snop  }
__scs_overlays_trampoline_lowered:
0x8: {  	[smem:$0x3FAE] =	sst s0  }
0x9: {  	[smem:$0x3FAF] =	sst s1  }
0xa: {  	[smem:$0x3FB0] =	sst s2  }
0xb: {  	[smem:$0x3FB1] =	sst s3  }
0xc: {  	[smem:$0x3FB2] =	sst s4  }
0xd: {  	[smem:$0x3FB3] =	sst s5  }
0xe: {  	[smem:$0x3FB4] =	sst s6  }
0xf: {  	[smem:$0x3FB5] =	sst s7  }
0x10: {  	[smem:$0x3FB6] =	sst s8  }
0x11: {  	[smem:$0x3FB7] =	sst s9;
	s0 =	simm.s32 @!p0 $0x0  }
0x12: {  	s1 =	sld [smem:$0x3F9D];
	s0 =	simm.s32 @p0 $0x1  }
0x13: {  	[smem:$0x3FB8] =	sst s0;
	s0 =	simm.s32 @!p1 $0x0  }
0x14: {  	s2 =	sld [smem:$0x3F9C];
	s0 =	simm.s32 @p1 $0x1  }
0x15: {  	[smem:$0x3FB9] =	sst s0;
	s0 =	simm.s32 @!p2 $0x0  }
0x16: {  	s3 =	sld [smem:$0x3FDB];
	s0 =	simm.s32 @p2 $0x1  }
0x17: {  	s4 =	simm.s32 $0x1BF5;
	[smem:$0x3FBB] =	sst s0  }
0x18: {  	s0 =	sld [smem:$0x3F9E];
	_ =	swait.ge [sflag:s4], $0x0  }
0x19: {  	s7 =	sld [smem:$0x3F9F]  }
0x1a: {  	s8 =	sadd.s32 $0xFFFFE003, lr  }
0x1b: {  	s9 =	sadd.s32 $0xFFFFFEF7, lr;
	s5 =	simm.s32 $0xFFFFFFFF;
	p2 =	slt.u32 s8, $0xFFFFF086  }
0x1c: {  	p1 =	slt.u32 s9, $0xF7A;
	s5 =	simm.s32 @!p2 $0x0  }
0x1d: {  	s5 =	simm.s32 @p1 $0x1;
	p0 =	seq.s32 s7, s2  }
0x1e: {  	s7 =	smul.u32 @!p0 $0xF7A, s2;
	p2 =	seq.s32 @!p0 s5, $0x0  }
0x1f: {  	s9 =	smul.u32 $0xF7A, s1;
	s8 =	simm.s32 @!p0 $0x1BF5;
	p2 =	por !p2, p0  }
0x20: {  	[sflag:s8] =	ssyncset.s32 @!p0 $0xFFFFF086;
	s6 =	sadd.s32 @!p0 s3, s7;
	s7 =	simm.s32 @!p0 $0x108  }
0x21: {  	s3 =	sadd.s32 s3, s9;
	s6 =	sadd.s32 @!p0 $0x88, s6;
	s7 =	simm.s32 @p2 $0x1082  }
0x22: {  	[simem:s7], [sflag:s8] =	dma.local @!p0 [hbm:s6], $0xF7A  }
0x23: {  	s9 =	sor.u32 $0xD0000000, s2;
	s6 =	simm.s32 $0x108;
	_ =	swait.ge @!p0 [sflag:s8], $0x0  }
0x24: {  	s3 =	sadd.s32 $0x88, s3;
	s6 =	simm.s32 @!p1 $0x1082;
	[sflag:s4] =	ssyncset.s32 $0xFFFFF086  }
0x25: {  	[simem:s6], [sflag:s4] =	dma.local [hbm:s3], $0xF7A  }
0x26: {  	[smem:$0x3F9F] =	sst s1;
	(tag) =	ssettag s2;
	_ =	strace s9  }
0x27: {  	s1 =	sld [smem:$0x3FAF]  }
0x28: {  	s2 =	sld [smem:$0x3FB0]  }
0x29: {  	s4 =	sld [smem:$0x3FB2]  }
0x2a: {  	p0 =	seq.s32 s5, $0x0;
	s5 =	sld [smem:$0x3FB3]  }
0x2b: {  	s6 =	sld [smem:$0x3FB4]  }
0x2c: {  	s7 =	sld [smem:$0x3FB5]  }
0x2d: {  	s3 =	simm.s32 $0x108;
	s8 =	sld [smem:$0x3FB6]  }
0x2e: {  	s3 =	simm.s32 @!p0 $0x1082;
	s9 =	sld [smem:$0x3FB7]  }
0x2f: {  	lr =	sadd.s32 s0, s3;
	s0 =	sld [smem:$0x3FAE]  }
0x30: {  	s3 =	sld [smem:$0x3FB1]  }
0x31: {  	[smem:$0x3FBA] =	sst s10  }
0x32: {  	s10 =	sld [smem:$0x3FB8];
	_ =	sdelay $0x3  }
0x33: {  	p0 =	seq.s32 s10, $0x1;
	s10 =	sld [smem:$0x3FBA];
	_ =	sdelay $0x3  }
0x34: {  	[smem:$0x3FBA] =	sst s10  }
0x35: {  	s10 =	sld [smem:$0x3FB9];
	_ =	sdelay $0x3  }
0x36: {  	p1 =	seq.s32 s10, $0x1;
	s10 =	sld [smem:$0x3FBA];
	_ =	sdelay $0x3  }
0x37: {  	[smem:$0x3FBA] =	sst s10  }
0x38: {  	s10 =	sld [smem:$0x3FBB]  }
0x39: {  	_ = 	snop;
	(pc) =	sbr.ind lr, $3  }
0x3a: {  	_ = 	snop  }
0x3b: {  	_ = 	snop  }
0x3c: {  	p2 =	seq.s32 s10, $0x1;
	s10 =	sld [smem:$0x3FBA]  }
0x3d: {  	_ =	shalt  }
0x3e: {  	_ =	shalt  }
0x3f: {  	_ =	shalt  }
0x40: {  	_ =	shalt  }
0x41: {  	_ =	shalt  }
0x42: {  	_ =	shalt  }
0x43: {  	_ =	shalt  }
0x44: {  	_ =	shalt  }
0x45: {  	_ =	shalt  }
0x46: {  	_ =	shalt  }
0x47: {  	_ =	shalt  }
0x48: {  	_ =	shalt  }
0x49: {  	_ =	shalt  }
0x4a: {  	_ =	shalt  }
0x4b: {  	_ =	shalt  }
0x4c: {  	_ =	shalt  }
0x4d: {  	_ =	shalt  }
0x4e: {  	_ =	shalt  }
0x4f: {  	_ =	shalt  }
0x50: {  	_ =	shalt  }
0x51: {  	_ =	shalt  }
0x52: {  	_ =	shalt  }
0x53: {  	_ =	shalt  }
0x54: {  	_ =	shalt  }
0x55: {  	_ =	shalt  }
0x56: {  	_ =	shalt  }
0x57: {  	_ =	shalt  }
0x58: {  	_ =	shalt  }
0x59: {  	_ =	shalt  }
0x5a: {  	_ =	shalt  }
0x5b: {  	_ =	shalt  }
0x5c: {  	_ =	shalt  }
0x5d: {  	_ =	shalt  }
0x5e: {  	_ =	shalt  }
0x5f: {  	_ =	shalt  }
0x60: {  	_ =	shalt  }
0x61: {  	_ =	shalt  }
0x62: {  	_ =	shalt  }
0x63: {  	_ =	shalt  }
0x64: {  	_ =	shalt  }
0x65: {  	_ =	shalt  }
0x66: {  	_ =	shalt  }
0x67: {  	_ =	shalt  }
0x68: {  	_ =	shalt  }
0x69: {  	_ =	shalt  }
0x6a: {  	_ =	shalt  }
0x6b: {  	_ =	shalt  }
0x6c: {  	_ =	shalt  }
0x6d: {  	_ =	shalt  }
0x6e: {  	_ =	shalt  }
0x6f: {  	_ =	shalt  }
0x70: {  	_ =	shalt  }
0x71: {  	_ =	shalt  }
0x72: {  	_ =	shalt  }
0x73: {  	_ =	shalt  }
0x74: {  	_ =	shalt  }
0x75: {  	_ =	shalt  }
0x76: {  	_ =	shalt  }
0x77: {  	_ =	shalt  }
0x78: {  	_ =	shalt  }
0x79: {  	_ =	shalt  }
0x7a: {  	_ =	shalt  }
0x7b: {  	_ =	shalt  }
0x7c: {  	_ =	shalt  }
0x7d: {  	_ =	shalt  }
0x7e: {  	_ =	shalt  }
0x7f: {  	_ =	shalt  }
0x80: {  	_ =	shalt  }
0x81: {  	_ =	shalt  }
0x82: {  	_ =	shalt  }
0x83: {  	_ =	shalt  }
0x84: {  	_ =	shalt  }
0x85: {  	_ =	shalt  }
0x86: {  	_ =	shalt  }
0x87: {  	_ =	shalt  }
.Lfunc_end0:
.L_simem_size_0:
called_computation_lowered:
.L_overlay_start_0:
0x88: {  	s2 =	sld [smem:$0x3FD9]  }
0x89: {  	s3 =	sld [smem:$0x3FFE];
	_ =	sdelay $0x1  }
0x8a: {  	s1 =	srdreg.scid  }
0x8b: {  	s0 =	sand.u32 $0x1, s1  }
0x8c: {  	s17 =	sshll.u32 s0, $0xA;
	s2 =	sadd.s32 s3, s2  }
0x8d: {  	s2 =	sadd.s32 s2, s17  }
0x8e: {  	[smem:$0x3FC6] =	sst s2  }
0x8f: {  	_ = 	snop  }
0x90: {  	s2 =	sld [smem:$0x3FC8]  }
0x91: {  	s18 =	sld [smem:$0x3FD0];
	(tm) =	ssettm $0x1  }
0x92: {  	s4 =	sld [smem:$0x3FFB];
	_ =	sdelay $0x3  }
0x93: {  	_ =	strace s4  }
0x94: {  	s4 =	sld [smem:$0x3FFC];
	_ =	sdelay $0x3  }
0x95: {  	_ =	strace s4  }
0x96: {  	s4 =	sld [smem:$0x3FFD];
	_ =	sdelay $0x3  }
0x97: {  	_ =	strace s4  }
0x98: {  	_ =	strace $0x8FFFFFFF  }
0x99: {  	s19 =	sld [smem:$0x3FDB];
	_ =	sdelay $0x1  }
0x9a: {  	s5 =	simm.s32 $_scs_section_size  }
0x9b: {  	s6 =	simm.s32 $_size__tile_overlayer_lowered;
	s7 =	simm.s32 $_tile_overlayer_lowered  }
0x9c: {  	s22 =	simm.s32 $0x1BFF;
	s21 =	sshll.u32 s7, $0x1;
	s4 =	sadd.s32 s5, s19  }
0x9d: {  	s8 =	simm.s32 $0x0;
	s20 =	sshll.u32 s6, $0x1;
	s6 =	sadd.s32 s21, s4  }
0x9e: {  	[timem:s8], [sflag:s22] =	dma.local [hbm:s6], s20  }
0x9f: {  	_ =	swait.ge [sflag:s22], s20  }
0xa0: {  	s5 =	ssub.s32 $0x0, s20;
	[sflag:s22] =	ssyncset.done $0x0  }
0xa1: {  	[sflag:s22] =	ssyncadd.s32 s5;
	_ =	sdelay $0x1  }
0xa2: {  	s23 =	simm.s32 $0x1B8B  }
0xa3: {  	_ =	swait.ge [sflag:s23], $0x1  }
0xa4: {  	[sflag:s23] =	ssyncset.done $0x0  }
0xa5: {  	s25 =	simm.s32 $0x1B8E;
	s24 =	sld [smem:$0x3FFE];
	[sflag:s23] =	ssyncadd.s32 $0xFFFFFFFF  }
0xa6: {  	s26 =	simm.s32 $execute0_lowered;
	[smem:$0x3FD2] =	sst s25  }
0xa7: {  	s6 =	sshll.u32 s26, $0x1;
	_ =	strace $0x80000046;
	[dreg:$0x1] =	wrdreg $0xFFFFFFFF  }
0xa8: {  	s28 =	simm.s32 $_size_execute0_lowered;
	s4 =	sadd.s32 s4, s6;
	[dreg:$0x0] =	wrdreg $0x0  }
0xa9: {  	s6 =	sshll.u32 s28, $0x1;
	[dreg:$0x2] =	wrdreg s4  }
0xaa: {  	[dreg:$0x3] =	wrdreg s6  }
0xab: {  	[dreg:$0x4] =	wrdreg $0xC0  }
0xac: {  	_ =	task [dreg:s8], $0x5FFFF  }
0xad: {  	[dreg:$0x1] =	wrdreg $0xFFFFFFFF  }
0xae: {  	[dreg:$0x0] =	wrdreg $0x60  }
0xaf: {  	[dreg:$0x2] =	wrdreg s18  }
0xb0: {  	[dreg:$0x3] =	wrdreg s2  }
0xb1: {  	[dreg:$0x4] =	wrdreg s24  }
0xb2: {  	[dreg:$0x5] =	wrdreg $0x9  }
0xb3: {  	_ =	task.clear_ibuf [dreg:s8], $0x6FFFF;
	_ =	strace $0x90000046  }
0xb4: {  	s29 =	simm.s32 $0x9;
	_ =	strace $0x80000048  }
0xb5: {  	_ =	swait.ge [sflag:s29], $0x1  }
0xb6: {  	[sflag:s29] =	ssyncadd.s32 $0xFFFFFFFF  }
0xb7: {  	_ =	strace $0x90000048  }
0xb8: {  	_ =	sfence  }
0xb9: {  	s30 =	sld [smem:$0x0];
	_ =	sdelay $0x2  }
0xba: {  	s31 =	sshll.u32 s1, $0xD;
	s1 =	sshrl.u32 s1, $0x2  }
0xbb: {  	s3 =	sand.u32 $0x4000, s31;
	s1 =	sadd.s32 s1, s30  }
0xbc: {  	s0 =	sor.u32 s3, s0;
	s1 =	sshll.u32 s1, $0x11  }
0xbd: {  	s0 =	sor.u32 s1, s0  }
0xbe: {  	s0 =	sadd.s32 $0x8F2B, s0  }
0xbf: {  	[sflag:s0] =	ssyncadd.remote.s32 $0x1  }
0xc0: {  	_ =	sfence.sel $0xFFFF  }
0xc1: {  	[dreg:$0x0] =	wrdreg $0xFFFFFFFF;
	(pc) =	sbr.abs _section_cstart, $3  }
0xc2: {  	[dreg:$0x1] =	wrdreg $0xFFFFFFFF  }
0xc3: {  	_ =	task.clear_ibuf [dreg:s8], $0x2FFFF;
	_ =	strace $0x9FFFFFFF  }
0xc4: {  	(tm) =	ssettm $0x7FFFFFFF  }
0xc5: {  	_ =	shalt  }
tec
execute0_lowered:
.L_overlay_start_1:
0x0: {  	(tag) =	ssettag $0x1  }
0x1: {  	s0 =	rddreg [dreg:$0x0]  }
0x2: {  	s2 =	rddreg [dreg:$0x1]  }
0x3: {  	s1 =	srdreg.scid;
	s6 =	stileid.u32  }
0x4: {  	s3 =	rddreg [dreg:$0x2];
	s7 =	simm.s32 $0x0;
	s8 =	simm.s32 $0x400  }
0x5: {  	s10 =	simm.s32 $0x7A1400;
	s11 =	simm.s32 $0x8180;
	s12 =	simm.s32 $0xA180  }
0x6: {  	s13 =	simm.s32 $0xC180;
	s14 =	simm.s32 $0xE180;
	s15 =	simm.s32 $0x10180  }
0x7: {  	s16 =	simm.s32 $0x12180;
	s17 =	simm.s32 $0x14180;
	s18 =	simm.s32 $0x16180  }
0x8: {  	s20 =	simm.s32 $0x2;
	s21 =	simm.s32 $0x3;
	s22 =	simm.s32 $0x4  }
0x9: {  	s23 =	simm.s32 $0x5;
	s24 =	simm.s32 $0x6;
	s1 =	sand.u32 $0x1, s1  }
0xa: {  	s4 =	sshll.u32 s6, $0x1;
	[smem:$0x7FF] =	sst s7;
	s28 =	sshll.u32 s6, $0x6  }
0xb: {  	s4 =	sor.u32 s1, s4;
	_ =	strace $0x80000047;
	s1 =	ssub.s32 $0x2, s1  }
0xc: {  	s5 =	sshll.u32 s4, $0xC;
	s4 =	sshll.u32 s4, $0x4;
	s29 =	sshrl.u32 s1, $0x1  }
.Ltmp0:
0xd: {  	s3 =	sadd.s32 s5, s3;
	s5 =	sand.u32 $0x300, s28;
	(pc) =	sbr.rel .LBB2_1-.Ltmp0, $4  }
0xe: {  	v0 =	vlaneseq.u32;
	s4 =	sand.u32 $0x70, s4;
	s1 =	ssub.s32 s1, s29;
	s30 =	sadd.s32 $0x400, s3  }
0xf: {  	v0 =	vmul.u32 $0x80, v0;
	s0 =	sadd.s32 s0, s5;
	s31 =	smax.u32 s1, $0x1;
	[dreg:$0x5] =	wrdreg s30  }
0x10: {  	s25 =	simm.s32 $0x7;
	s0 =	sadd.s32 s4, s0;
	[dreg:$0x6] =	wrdreg s31  }
0x11: {  	s26 =	simm.s32 $0x8;
	v1 =	vor.u32 $0x800, v0;
	v2 =	vor.u32 $0x1000, v0;
	v3 =	vor.u32 $0x1800, v0;
	s3 =	simm.s32 $0x0;
	[dreg:$0x4] =	wrdreg s0  }
.LBB2_4:
0x12: {  	s7 =	simm.s32 $0x0  }
0x13: {  	s0 =	rddreg [dreg:$0x5];
	s1 =	simm.s32 $0x180;
	s30 =	simm.s32 $0x9  }
0x14: {  	[hbm4b:s0+s7] =	stream.linear.scatter [tilespmem:s1], [sflag:$0x9], $0x8000, $0x38;
	[tilespmem:$0x18180] =	vst v63  }
0x15: {  	_ =	swait.ge [sflag:s30], $0x8000  }
0x16: {  	s3 =	rddreg [dreg:$0x7]  }
0x17: {  	s31 =	rddreg [dreg:$0x6];
	s3 =	sadd.s32 $0x1, s3  }
0x18: {  	p0 =	sne.s32 s3, s31  }
.Ltmp1:
0x19: {  	_ = 	snop;
	(pc) =	sbr.rel @!p0 .LBB2_5-.Ltmp1, $3  }
0x1a: {  	_ =	sdelay $0x1  }
0x1b: {  	[sflag:s30] =	ssyncset.done $0x0  }
0x1c: {  	[sflag:s30] =	ssyncadd.s32 $0xFFFF8000  }
.LBB2_1:
0x1d: {  	[dreg:$0x7] =	wrdreg s3  }
0x1e: {  	s0 =	rddreg [dreg:$0x4];
	s1 =	simm.s32 $0x80;
	s29 =	simm.s32 $0xA  }
0x1f: {  	[tilespmem:s7], [sflag:$0xA] =	stream.strided.gather [hbm4b:s0+s1], $0x100, s8, s1, $0x38;
	[tilespmem:$0x18180] =	vst v63  }
0x20: {  	_ =	swait.ge [sflag:s29], $0x100  }
0x21: {  	[sflag:s29] =	ssyncset.done $0x0  }
0x22: {  	[sflag:s29] =	ssyncadd.s32 $0xFFFFFF00  }
0x23: {  	v4 =	vld [tilespmem:$0x0];
	_ =	sdelay $0x4  }
0x24: {  	(v2sf) =	vpush v4, $0x0  }
0x25: {  	(v2sf) =	vpush v4, $0x1;
	_ =	sdelay $0x1  }
0x26: {  	(v2sf) =	vpush v4, $0x2;
	_ =	sdelay $0x4  }
0x27: {  	(v2sf) =	vpush v4, $0x3  }
0x28: {  	(v2sf) =	vpush v4, $0x4;
	_ =	sdelay $0x5  }
0x29: {  	s30 =	spop (v2sf);
	(v2sf) =	vpush v4, $0x5  }
0x2a: {  	s1 =	spop (v2sf);
	(v2sf) =	vpush v4, $0x6  }
0x2b: {  	s0 =	sand.u32 $0xFFFFF80, s30  }
0x2c: {  	s0 =	sadd.s32 s2, s0;
	s3 =	spop (v2sf)  }
0x2d: {  	(v2sf) =	vpush v4, $0x7;
	[tilespmem:s11], [sflag:$0x1] =	stream.strided.gather [hbm4b:s0+s8], $0x2000, s10, s8, $0x38;
	[tilespmem:$0x18180] =	vst v63  }
0x2e: {  	s0 =	sand.u32 $0xFFFFF80, s1  }
0x2f: {  	s0 =	sadd.s32 s2, s0  }
0x30: {  	[tilespmem:s12], [sflag:$0x2] =	stream.strided.gather [hbm4b:s0+s8], $0x2000, s10, s8, $0x38;
	[tilespmem:$0x18180] =	vst v63  }
0x31: {  	s4 =	spop (v2sf);
	s0 =	sand.u32 $0xFFFFF80, s3  }
0x32: {  	s5 =	sand.u32 $0xFFFFF80, s4;
	s6 =	spop (v2sf);
	s0 =	sadd.s32 s2, s0  }
0x33: {  	[tilespmem:s13], [sflag:$0x3] =	stream.strided.gather [hbm4b:s0+s8], $0x2000, s10, s8, $0x38;
	[tilespmem:$0x18180] =	vst v63  }
0x34: {  	s7 =	sand.u32 $0xFFFFF80, s6;
	s0 =	sadd.s32 s2, s5  }
0x35: {  	[tilespmem:s14], [sflag:$0x4] =	stream.strided.gather [hbm4b:s0+s8], $0x2000, s10, s8, $0x38;
	[tilespmem:$0x18180] =	vst v63  }
0x36: {  	s0 =	sadd.s32 s2, s7  }
0x37: {  	[tilespmem:s15], [sflag:$0x5] =	stream.strided.gather [hbm4b:s0+s8], $0x2000, s10, s8, $0x38;
	[tilespmem:$0x18180] =	vst v63  }
0x38: {  	s9 =	spop (v2sf)  }
0x39: {  	s19 =	sand.u32 $0xFFFFF80, s9;
	s28 =	spop (v2sf)  }
0x3a: {  	s0 =	sadd.s32 s2, s19;
	s29 =	sand.u32 $0xFFFFF80, s28  }
0x3b: {  	[tilespmem:s16], [sflag:$0x6] =	stream.strided.gather [hbm4b:s0+s8], $0x2000, s10, s8, $0x38;
	[tilespmem:$0x18180] =	vst v63  }
0x3c: {  	s30 =	spop (v2sf);
	s0 =	sadd.s32 s2, s29  }
0x3d: {  	[tilespmem:s17], [sflag:$0x7] =	stream.strided.gather [hbm4b:s0+s8], $0x2000, s10, s8, $0x38;
	[tilespmem:$0x18180] =	vst v63  }
0x3e: {  	s0 =	sand.u32 $0xFFFFF80, s30  }
0x3f: {  	s31 =	simm.s32 $0x580;
	s1 =	simm.s32 $0x0;
	s0 =	sadd.s32 s2, s0  }
0x40: {  	[tilespmem:s18], [sflag:$0x8] =	stream.strided.gather [hbm4b:s0+s8], $0x2000, s10, s8, $0x38;
	[tilespmem:$0x18180] =	vst v63  }
.LBB2_2:
0x41: {  	s0 =	sshra.s32 s1, $0x2  }
0x42: {  	v5 =	vld [tilespmem:s0+$0x0];
	_ =	sdelay $0x2  }
0x43: {  	s19 =	simm.s32 $0x1  }
0x44: {  	v4 =	vld [tilespmem:s0+$0x10];
	_ =	swait.ge [sflag:s19], $0x2000  }
0x45: {  	(v2sf) =	vpush v5, $0x0;
	_ =	sdelay $0xe  }
0x46: {  	s7 =	spop (v2sf)  }
0x47: {  	s0 =	sand.u32 $0x7F, s7  }
0x48: {  	v6 =	vor.u32 s0, v0;
	_ =	sdelay $0x2  }
0x49: {  	[sflag:s19] =	ssyncset.done $0x0  }
0x4a: {  	[sflag:s19] =	ssyncadd.s32 $0xFFFFE000  }
0x4b: {  	v6 =	vld.idx.msk [tilespmem:v6+s11+$0x0], $0xffff;
	_ =	sdelay $0x2  }
0x4c: {  	v7 =	vor.u32 s0, v1;
	_ =	sdelay $0x1  }
0x4d: {  	v6 =	vmul.f32 $8.000000000e+00, v6;
	_ =	sdelay $0x1  }
0x4e: {  	[tilespmem:s31+$0xFFFFFC00] =	vst v6  }
0x4f: {  	v6 =	vld.idx.msk [tilespmem:v7+s11+$0x0], $0xffff;
	_ =	sdelay $0x2  }
0x50: {  	v7 =	vor.u32 s0, v2;
	_ =	sdelay $0x1  }
0x51: {  	v6 =	vmul.f32 $8.000000000e+00, v6  }
0x52: {  	(v2sf) =	vpush v5, $0x8  }
0x53: {  	[tilespmem:s31+$0xFFFFFC10] =	vst v6  }
0x54: {  	v6 =	vld.idx.msk [tilespmem:v7+s11+$0x0], $0xffff;
	_ =	sdelay $0x2  }
0x55: {  	v7 =	vor.u32 s0, v3;
	_ =	sdelay $0x1  }
0x56: {  	v6 =	vmul.f32 $8.000000000e+00, v6;
	_ =	sdelay $0x1  }
0x57: {  	[tilespmem:s31+$0xFFFFFC20] =	vst v6  }
0x58: {  	v6 =	vld.idx.msk [tilespmem:v7+s11+$0x0], $0xffff;
	_ =	sdelay $0x4  }
0x59: {  	s28 =	spop (v2sf);
	v6 =	vmul.f32 $8.000000000e+00, v6  }
0x5a: {  	s9 =	sand.u32 $0xFFFFF80, s28  }
0x5b: {  	s0 =	sadd.s32 s2, s9;
	[tilespmem:s31+$0xFFFFFC30] =	vst v6  }
0x5c: {  	[tilespmem:s11], [sflag:$0x1] =	stream.strided.gather [hbm4b:s0+s8], $0x2000, s10, s8, $0x38;
	[tilespmem:$0x18180] =	vst v63  }
0x5d: {  	_ =	swait.ge [sflag:s20], $0x2000  }
0x5e: {  	(v2sf) =	vpush v5, $0x1;
	_ =	sdelay $0xe  }
0x5f: {  	s29 =	spop (v2sf)  }
0x60: {  	s0 =	sand.u32 $0x7F, s29  }
0x61: {  	v6 =	vor.u32 s0, v0;
	_ =	sdelay $0x2  }
0x62: {  	[sflag:s20] =	ssyncset.done $0x0  }
0x63: {  	[sflag:s20] =	ssyncadd.s32 $0xFFFFE000  }
0x64: {  	v6 =	vld.idx.msk [tilespmem:v6+s12+$0x0], $0xffff;
	_ =	sdelay $0x2  }
0x65: {  	v7 =	vor.u32 s0, v1;
	_ =	sdelay $0x1  }
0x66: {  	v6 =	vmul.f32 $8.000000000e+00, v6;
	_ =	sdelay $0x1  }
0x67: {  	[tilespmem:s31+$0xFFFFFC80] =	vst v6  }
0x68: {  	v6 =	vld.idx.msk [tilespmem:v7+s12+$0x0], $0xffff;
	_ =	sdelay $0x2  }
0x69: {  	v7 =	vor.u32 s0, v2;
	_ =	sdelay $0x1  }
0x6a: {  	v6 =	vmul.f32 $8.000000000e+00, v6  }
0x6b: {  	(v2sf) =	vpush v5, $0x9  }
0x6c: {  	[tilespmem:s31+$0xFFFFFC90] =	vst v6  }
0x6d: {  	v6 =	vld.idx.msk [tilespmem:v7+s12+$0x0], $0xffff;
	_ =	sdelay $0x2  }
0x6e: {  	v7 =	vor.u32 s0, v3;
	_ =	sdelay $0x1  }
0x6f: {  	v6 =	vmul.f32 $8.000000000e+00, v6;
	_ =	sdelay $0x1  }
0x70: {  	[tilespmem:s31+$0xFFFFFCA0] =	vst v6  }
0x71: {  	v6 =	vld.idx.msk [tilespmem:v7+s12+$0x0], $0xffff;
	_ =	sdelay $0x4  }
0x72: {  	s0 =	spop (v2sf);
	v6 =	vmul.f32 $8.000000000e+00, v6  }
0x73: {  	s3 =	sand.u32 $0xFFFFF80, s0  }
0x74: {  	s3 =	sadd.s32 s2, s3;
	[tilespmem:s31+$0xFFFFFCB0] =	vst v6  }
0x75: {  	[tilespmem:s12], [sflag:$0x2] =	stream.strided.gather [hbm4b:s3+s8], $0x2000, s10, s8, $0x38;
	[tilespmem:$0x18180] =	vst v63  }
0x76: {  	_ =	swait.ge [sflag:s21], $0x2000  }
0x77: {  	(v2sf) =	vpush v5, $0x2;
	_ =	sdelay $0xe  }
0x78: {  	s30 =	spop (v2sf)  }
0x79: {  	s3 =	sand.u32 $0x7F, s30  }
0x7a: {  	v6 =	vor.u32 s3, v0;
	_ =	sdelay $0x2  }
0x7b: {  	[sflag:s21] =	ssyncset.done $0x0  }
0x7c: {  	[sflag:s21] =	ssyncadd.s32 $0xFFFFE000  }
0x7d: {  	v6 =	vld.idx.msk [tilespmem:v6+s13+$0x0], $0xffff;
	_ =	sdelay $0x2  }
0x7e: {  	v7 =	vor.u32 s3, v1;
	_ =	sdelay $0x1  }
0x7f: {  	v6 =	vmul.f32 $8.000000000e+00, v6;
	_ =	sdelay $0x1  }
0x80: {  	[tilespmem:s31+$0xFFFFFD00] =	vst v6  }
0x81: {  	v6 =	vld.idx.msk [tilespmem:v7+s13+$0x0], $0xffff;
	_ =	sdelay $0x2  }
0x82: {  	v7 =	vor.u32 s3, v2;
	_ =	sdelay $0x1  }
0x83: {  	v6 =	vmul.f32 $8.000000000e+00, v6  }
0x84: {  	(v2sf) =	vpush v5, $0xA  }
0x85: {  	[tilespmem:s31+$0xFFFFFD10] =	vst v6  }
0x86: {  	v6 =	vld.idx.msk [tilespmem:v7+s13+$0x0], $0xffff;
	_ =	sdelay $0x2  }
0x87: {  	v7 =	vor.u32 s3, v3;
	_ =	sdelay $0x1  }
0x88: {  	v6 =	vmul.f32 $8.000000000e+00, v6;
	_ =	sdelay $0x1  }
0x89: {  	[tilespmem:s31+$0xFFFFFD20] =	vst v6  }
0x8a: {  	v6 =	vld.idx.msk [tilespmem:v7+s13+$0x0], $0xffff;
	_ =	sdelay $0x4  }
0x8b: {  	s7 =	spop (v2sf);
	v6 =	vmul.f32 $8.000000000e+00, v6  }
0x8c: {  	s4 =	sand.u32 $0xFFFFF80, s7  }
0x8d: {  	s3 =	sadd.s32 s2, s4;
	[tilespmem:s31+$0xFFFFFD30] =	vst v6  }
0x8e: {  	[tilespmem:s13], [sflag:$0x3] =	stream.strided.gather [hbm4b:s3+s8], $0x2000, s10, s8, $0x38;
	[tilespmem:$0x18180] =	vst v63  }
0x8f: {  	_ =	swait.ge [sflag:s22], $0x2000  }
0x90: {  	(v2sf) =	vpush v5, $0x3;
	_ =	sdelay $0xe  }
0x91: {  	s5 =	spop (v2sf)  }
0x92: {  	s3 =	sand.u32 $0x7F, s5  }
0x93: {  	v6 =	vor.u32 s3, v0;
	_ =	sdelay $0x2  }
0x94: {  	[sflag:s22] =	ssyncset.done $0x0  }
0x95: {  	[sflag:s22] =	ssyncadd.s32 $0xFFFFE000  }
0x96: {  	v6 =	vld.idx.msk [tilespmem:v6+s14+$0x0], $0xffff;
	_ =	sdelay $0x2  }
0x97: {  	v7 =	vor.u32 s3, v1;
	_ =	sdelay $0x1  }
0x98: {  	v6 =	vmul.f32 $8.000000000e+00, v6;
	_ =	sdelay $0x1  }
0x99: {  	[tilespmem:s31+$0xFFFFFD80] =	vst v6  }
0x9a: {  	v6 =	vld.idx.msk [tilespmem:v7+s14+$0x0], $0xffff;
	_ =	sdelay $0x2  }
0x9b: {  	v7 =	vor.u32 s3, v2;
	_ =	sdelay $0x1  }
0x9c: {  	v6 =	vmul.f32 $8.000000000e+00, v6  }
0x9d: {  	(v2sf) =	vpush v5, $0xB  }
0x9e: {  	[tilespmem:s31+$0xFFFFFD90] =	vst v6  }
0x9f: {  	v6 =	vld.idx.msk [tilespmem:v7+s14+$0x0], $0xffff;
	_ =	sdelay $0x2  }
0xa0: {  	v7 =	vor.u32 s3, v3;
	_ =	sdelay $0x1  }
0xa1: {  	v6 =	vmul.f32 $8.000000000e+00, v6;
	_ =	sdelay $0x1  }
0xa2: {  	[tilespmem:s31+$0xFFFFFDA0] =	vst v6  }
0xa3: {  	v6 =	vld.idx.msk [tilespmem:v7+s14+$0x0], $0xffff;
	_ =	sdelay $0x4  }
0xa4: {  	s3 =	spop (v2sf);
	v6 =	vmul.f32 $8.000000000e+00, v6  }
0xa5: {  	s4 =	sand.u32 $0xFFFFF80, s3  }
0xa6: {  	s4 =	sadd.s32 s2, s4;
	[tilespmem:s31+$0xFFFFFDB0] =	vst v6  }
0xa7: {  	[tilespmem:s14], [sflag:$0x4] =	stream.strided.gather [hbm4b:s4+s8], $0x2000, s10, s8, $0x38;
	[tilespmem:$0x18180] =	vst v63  }
0xa8: {  	_ =	swait.ge [sflag:s23], $0x2000  }
0xa9: {  	(v2sf) =	vpush v5, $0x4;
	_ =	sdelay $0xe  }
0xaa: {  	s6 =	spop (v2sf)  }
0xab: {  	s4 =	sand.u32 $0x7F, s6  }
0xac: {  	v6 =	vor.u32 s4, v0;
	_ =	sdelay $0x2  }
0xad: {  	[sflag:s23] =	ssyncset.done $0x0  }
0xae: {  	[sflag:s23] =	ssyncadd.s32 $0xFFFFE000  }
0xaf: {  	v6 =	vld.idx.msk [tilespmem:v6+s15+$0x0], $0xffff;
	_ =	sdelay $0x2  }
0xb0: {  	v7 =	vor.u32 s4, v1;
	_ =	sdelay $0x1  }
0xb1: {  	v6 =	vmul.f32 $8.000000000e+00, v6;
	_ =	sdelay $0x1  }
0xb2: {  	[tilespmem:s31+$0xFFFFFE00] =	vst v6  }
0xb3: {  	v6 =	vld.idx.msk [tilespmem:v7+s15+$0x0], $0xffff;
	_ =	sdelay $0x2  }
0xb4: {  	v7 =	vor.u32 s4, v2;
	_ =	sdelay $0x1  }
0xb5: {  	v6 =	vmul.f32 $8.000000000e+00, v6  }
0xb6: {  	(v2sf) =	vpush v5, $0xC  }
0xb7: {  	[tilespmem:s31+$0xFFFFFE10] =	vst v6  }
0xb8: {  	v6 =	vld.idx.msk [tilespmem:v7+s15+$0x0], $0xffff;
	_ =	sdelay $0x2  }
0xb9: {  	v7 =	vor.u32 s4, v3;
	_ =	sdelay $0x1  }
0xba: {  	v6 =	vmul.f32 $8.000000000e+00, v6;
	_ =	sdelay $0x1  }
0xbb: {  	[tilespmem:s31+$0xFFFFFE20] =	vst v6  }
0xbc: {  	v6 =	vld.idx.msk [tilespmem:v7+s15+$0x0], $0xffff;
	_ =	sdelay $0x4  }
0xbd: {  	s4 =	spop (v2sf);
	v6 =	vmul.f32 $8.000000000e+00, v6  }
0xbe: {  	s5 =	sand.u32 $0xFFFFF80, s4  }
0xbf: {  	s5 =	sadd.s32 s2, s5;
	[tilespmem:s31+$0xFFFFFE30] =	vst v6  }
0xc0: {  	[tilespmem:s15], [sflag:$0x5] =	stream.strided.gather [hbm4b:s5+s8], $0x2000, s10, s8, $0x38;
	[tilespmem:$0x18180] =	vst v63  }
0xc1: {  	_ =	swait.ge [sflag:s24], $0x2000  }
0xc2: {  	(v2sf) =	vpush v5, $0x5;
	_ =	sdelay $0xe  }
0xc3: {  	s9 =	spop (v2sf)  }
0xc4: {  	s5 =	sand.u32 $0x7F, s9  }
0xc5: {  	v6 =	vor.u32 s5, v0;
	_ =	sdelay $0x2  }
0xc6: {  	[sflag:s24] =	ssyncset.done $0x0  }
0xc7: {  	[sflag:s24] =	ssyncadd.s32 $0xFFFFE000  }
0xc8: {  	v6 =	vld.idx.msk [tilespmem:v6+s16+$0x0], $0xffff;
	_ =	sdelay $0x2  }
0xc9: {  	v7 =	vor.u32 s5, v1;
	_ =	sdelay $0x1  }
0xca: {  	v6 =	vmul.f32 $8.000000000e+00, v6;
	_ =	sdelay $0x1  }
0xcb: {  	[tilespmem:s31+$0xFFFFFE80] =	vst v6  }
0xcc: {  	v6 =	vld.idx.msk [tilespmem:v7+s16+$0x0], $0xffff;
	_ =	sdelay $0x2  }
0xcd: {  	v7 =	vor.u32 s5, v2;
	_ =	sdelay $0x1  }
0xce: {  	v6 =	vmul.f32 $8.000000000e+00, v6  }
0xcf: {  	(v2sf) =	vpush v5, $0xD  }
0xd0: {  	[tilespmem:s31+$0xFFFFFE90] =	vst v6  }
0xd1: {  	v6 =	vld.idx.msk [tilespmem:v7+s16+$0x0], $0xffff;
	_ =	sdelay $0x2  }
0xd2: {  	v7 =	vor.u32 s5, v3;
	_ =	sdelay $0x1  }
0xd3: {  	v6 =	vmul.f32 $8.000000000e+00, v6;
	_ =	sdelay $0x1  }
0xd4: {  	[tilespmem:s31+$0xFFFFFEA0] =	vst v6  }
0xd5: {  	v6 =	vld.idx.msk [tilespmem:v7+s16+$0x0], $0xffff;
	_ =	sdelay $0x4  }
0xd6: {  	s5 =	spop (v2sf);
	v6 =	vmul.f32 $8.000000000e+00, v6  }
0xd7: {  	s6 =	sand.u32 $0xFFFFF80, s5  }
0xd8: {  	s6 =	sadd.s32 s2, s6;
	[tilespmem:s31+$0xFFFFFEB0] =	vst v6  }
0xd9: {  	[tilespmem:s16], [sflag:$0x6] =	stream.strided.gather [hbm4b:s6+s8], $0x2000, s10, s8, $0x38;
	[tilespmem:$0x18180] =	vst v63  }
0xda: {  	_ =	swait.ge [sflag:s25], $0x2000  }
0xdb: {  	(v2sf) =	vpush v5, $0x6;
	_ =	sdelay $0xe  }
0xdc: {  	s29 =	spop (v2sf)  }
0xdd: {  	s6 =	sand.u32 $0x7F, s29  }
0xde: {  	v6 =	vor.u32 s6, v0;
	_ =	sdelay $0x2  }
0xdf: {  	[sflag:s25] =	ssyncset.done $0x0  }
0xe0: {  	[sflag:s25] =	ssyncadd.s32 $0xFFFFE000  }
0xe1: {  	v6 =	vld.idx.msk [tilespmem:v6+s17+$0x0], $0xffff;
	_ =	sdelay $0x2  }
0xe2: {  	v7 =	vor.u32 s6, v1;
	_ =	sdelay $0x1  }
0xe3: {  	v6 =	vmul.f32 $8.000000000e+00, v6;
	_ =	sdelay $0x1  }
0xe4: {  	[tilespmem:s31+$0xFFFFFF00] =	vst v6  }
0xe5: {  	v6 =	vld.idx.msk [tilespmem:v7+s17+$0x0], $0xffff;
	_ =	sdelay $0x2  }
0xe6: {  	v7 =	vor.u32 s6, v2;
	_ =	sdelay $0x1  }
0xe7: {  	v6 =	vmul.f32 $8.000000000e+00, v6  }
0xe8: {  	(v2sf) =	vpush v5, $0xE  }
0xe9: {  	[tilespmem:s31+$0xFFFFFF10] =	vst v6  }
0xea: {  	v6 =	vld.idx.msk [tilespmem:v7+s17+$0x0], $0xffff;
	_ =	sdelay $0x2  }
0xeb: {  	v7 =	vor.u32 s6, v3;
	_ =	sdelay $0x1  }
0xec: {  	v6 =	vmul.f32 $8.000000000e+00, v6;
	_ =	sdelay $0x1  }
0xed: {  	[tilespmem:s31+$0xFFFFFF20] =	vst v6  }
0xee: {  	v6 =	vld.idx.msk [tilespmem:v7+s17+$0x0], $0xffff;
	_ =	sdelay $0x4  }
0xef: {  	s6 =	spop (v2sf);
	v6 =	vmul.f32 $8.000000000e+00, v6  }
0xf0: {  	s9 =	sand.u32 $0xFFFFF80, s6  }
0xf1: {  	s9 =	sadd.s32 s2, s9;
	[tilespmem:s31+$0xFFFFFF30] =	vst v6  }
0xf2: {  	[tilespmem:s17], [sflag:$0x7] =	stream.strided.gather [hbm4b:s9+s8], $0x2000, s10, s8, $0x38;
	[tilespmem:$0x18180] =	vst v63  }
0xf3: {  	_ =	swait.ge [sflag:s26], $0x2000  }
0xf4: {  	(v2sf) =	vpush v5, $0x7;
	_ =	sdelay $0xe  }
0xf5: {  	s30 =	spop (v2sf)  }
0xf6: {  	s9 =	sand.u32 $0x7F, s30  }
0xf7: {  	v6 =	vor.u32 s9, v0;
	_ =	sdelay $0x2  }
0xf8: {  	[sflag:s26] =	ssyncset.done $0x0  }
0xf9: {  	[sflag:s26] =	ssyncadd.s32 $0xFFFFE000  }
0xfa: {  	v6 =	vld.idx.msk [tilespmem:v6+s18+$0x0], $0xffff;
	_ =	sdelay $0x2  }
0xfb: {  	v7 =	vor.u32 s9, v1;
	_ =	sdelay $0x1  }
0xfc: {  	v6 =	vmul.f32 $8.000000000e+00, v6;
	_ =	sdelay $0x1  }
0xfd: {  	[tilespmem:s31+$0xFFFFFF80] =	vst v6  }
0xfe: {  	v6 =	vld.idx.msk [tilespmem:v7+s18+$0x0], $0xffff;
	_ =	sdelay $0x2  }
0xff: {  	v7 =	vor.u32 s9, v2;
	_ =	sdelay $0x1  }
0x100: {  	v6 =	vmul.f32 $8.000000000e+00, v6  }
0x101: {  	(v2sf) =	vpush v5, $0xF  }
0x102: {  	[tilespmem:s31+$0xFFFFFF90] =	vst v6  }
0x103: {  	v5 =	vld.idx.msk [tilespmem:v7+s18+$0x0], $0xffff;
	_ =	sdelay $0x2  }
0x104: {  	v6 =	vor.u32 s9, v3;
	_ =	sdelay $0x1  }
0x105: {  	v5 =	vmul.f32 $8.000000000e+00, v5;
	_ =	sdelay $0x1  }
0x106: {  	[tilespmem:s31+$0xFFFFFFA0] =	vst v5  }
0x107: {  	v5 =	vld.idx.msk [tilespmem:v6+s18+$0x0], $0xffff;
	_ =	sdelay $0x4  }
0x108: {  	s9 =	spop (v2sf);
	v5 =	vmul.f32 $8.000000000e+00, v5  }
0x109: {  	s28 =	sand.u32 $0x7F, s28;
	s29 =	sand.u32 $0xFFFFF80, s9  }
0x10a: {  	s29 =	sadd.s32 s2, s29;
	[tilespmem:s31+$0xFFFFFFB0] =	vst v5;
	v5 =	vor.u32 s28, v0  }
0x10b: {  	[tilespmem:s18], [sflag:$0x8] =	stream.strided.gather [hbm4b:s29+s8], $0x2000, s10, s8, $0x38;
	[tilespmem:$0x18180] =	vst v63  }
0x10c: {  	_ =	swait.ge [sflag:s19], $0x2000  }
0x10d: {  	[sflag:s19] =	ssyncset.done $0x0  }
0x10e: {  	[sflag:s19] =	ssyncadd.s32 $0xFFFFE000  }
0x10f: {  	v5 =	vld.idx.msk [tilespmem:v5+s11+$0x0], $0xffff;
	_ =	sdelay $0x2  }
0x110: {  	v6 =	vor.u32 s28, v1;
	_ =	sdelay $0x1  }
0x111: {  	v5 =	vmul.f32 $8.000000000e+00, v5;
	_ =	sdelay $0x1  }
0x112: {  	[tilespmem:s31+$0x0] =	vst v5  }
0x113: {  	v5 =	vld.idx.msk [tilespmem:v6+s11+$0x0], $0xffff;
	_ =	sdelay $0x2  }
0x114: {  	v6 =	vor.u32 s28, v2;
	_ =	sdelay $0x1  }
0x115: {  	p0 =	seq.s32 s1, $0x3C0;
	v5 =	vmul.f32 $8.000000000e+00, v5  }
0x116: {  	(v2sf) =	vpush @!p0 v4, $0x0  }
0x117: {  	[tilespmem:s31+$0x10] =	vst v5  }
0x118: {  	v5 =	vld.idx.msk [tilespmem:v6+s11+$0x0], $0xffff;
	_ =	sdelay $0x2  }
0x119: {  	v6 =	vor.u32 s28, v3;
	_ =	sdelay $0x1  }
0x11a: {  	v5 =	vmul.f32 $8.000000000e+00, v5;
	_ =	sdelay $0x1  }
0x11b: {  	[tilespmem:s31+$0x20] =	vst v5  }
0x11c: {  	v5 =	vld.idx.msk [tilespmem:v6+s11+$0x0], $0xffff;
	_ =	sdelay $0x4  }
0x11d: {  	s28 =	spop @!p0 (v2sf);
	v5 =	vmul.f32 $8.000000000e+00, v5  }
0x11e: {  	s30 =	sand.u32 $0x7F, s0;
	s0 =	simm.s32 @!p0 $0x400;
	s28 =	sand.u32 @!p0 $0xFFFFF80, s28  }
0x11f: {  	s19 =	simm.s32 @!p0 $0x8180;
	s29 =	sadd.s32 @!p0 s2, s28;
	s28 =	simm.s32 @!p0 $0x7A1400;
	[tilespmem:s31+$0x30] =	vst v5;
	v5 =	vor.u32 s30, v0  }
0x120: {  	[tilespmem:s19], [sflag:$0x1] =	stream.strided.gather @!p0 [hbm4b:s29+s0], $0x2000, s28, s0, $0x38;
	[tilespmem:$0x18180] =	vst v63  }
0x121: {  	_ =	swait.ge [sflag:s20], $0x2000  }
0x122: {  	[sflag:s20] =	ssyncset.done $0x0  }
0x123: {  	[sflag:s20] =	ssyncadd.s32 $0xFFFFE000  }
0x124: {  	v5 =	vld.idx.msk [tilespmem:v5+s12+$0x0], $0xffff;
	_ =	sdelay $0x2  }
0x125: {  	v6 =	vor.u32 s30, v1;
	_ =	sdelay $0x1  }
0x126: {  	v5 =	vmul.f32 $8.000000000e+00, v5;
	_ =	sdelay $0x1  }
0x127: {  	[tilespmem:s31+$0x80] =	vst v5  }
0x128: {  	v5 =	vld.idx.msk [tilespmem:v6+s12+$0x0], $0xffff;
	_ =	sdelay $0x2  }
0x129: {  	v6 =	vor.u32 s30, v2;
	_ =	sdelay $0x1  }
0x12a: {  	v5 =	vmul.f32 $8.000000000e+00, v5  }
0x12b: {  	(v2sf) =	vpush @!p0 v4, $0x1  }
0x12c: {  	[tilespmem:s31+$0x90] =	vst v5  }
0x12d: {  	v5 =	vld.idx.msk [tilespmem:v6+s12+$0x0], $0xffff;
	_ =	sdelay $0x2  }
0x12e: {  	v6 =	vor.u32 s30, v3;
	_ =	sdelay $0x1  }
0x12f: {  	v5 =	vmul.f32 $8.000000000e+00, v5;
	_ =	sdelay $0x1  }
0x130: {  	[tilespmem:s31+$0xA0] =	vst v5  }
0x131: {  	v5 =	vld.idx.msk [tilespmem:v6+s12+$0x0], $0xffff;
	_ =	sdelay $0x4  }
0x132: {  	s19 =	spop @!p0 (v2sf);
	v5 =	vmul.f32 $8.000000000e+00, v5  }
0x133: {  	s7 =	sand.u32 $0x7F, s7;
	s19 =	sand.u32 @!p0 $0xFFFFF80, s19  }
0x134: {  	s29 =	simm.s32 @!p0 $0xA180;
	s19 =	sadd.s32 @!p0 s2, s19;
	[tilespmem:s31+$0xB0] =	vst v5;
	v5 =	vor.u32 s7, v0  }
0x135: {  	[tilespmem:s29], [sflag:$0x2] =	stream.strided.gather @!p0 [hbm4b:s19+s0], $0x2000, s28, s0, $0x38;
	[tilespmem:$0x18180] =	vst v63  }
0x136: {  	_ =	swait.ge [sflag:s21], $0x2000  }
0x137: {  	[sflag:s21] =	ssyncset.done $0x0  }
0x138: {  	[sflag:s21] =	ssyncadd.s32 $0xFFFFE000  }
0x139: {  	v5 =	vld.idx.msk [tilespmem:v5+s13+$0x0], $0xffff;
	_ =	sdelay $0x2  }
0x13a: {  	v6 =	vor.u32 s7, v1;
	_ =	sdelay $0x1  }
0x13b: {  	v5 =	vmul.f32 $8.000000000e+00, v5;
	_ =	sdelay $0x1  }
0x13c: {  	[tilespmem:s31+$0x100] =	vst v5  }
0x13d: {  	v5 =	vld.idx.msk [tilespmem:v6+s13+$0x0], $0xffff;
	_ =	sdelay $0x2  }
0x13e: {  	v6 =	vor.u32 s7, v2;
	_ =	sdelay $0x1  }
0x13f: {  	v5 =	vmul.f32 $8.000000000e+00, v5  }
0x140: {  	(v2sf) =	vpush @!p0 v4, $0x2  }
0x141: {  	[tilespmem:s31+$0x110] =	vst v5  }
0x142: {  	v5 =	vld.idx.msk [tilespmem:v6+s13+$0x0], $0xffff;
	_ =	sdelay $0x2  }
0x143: {  	v6 =	vor.u32 s7, v3;
	_ =	sdelay $0x1  }
0x144: {  	v5 =	vmul.f32 $8.000000000e+00, v5;
	_ =	sdelay $0x1  }
0x145: {  	[tilespmem:s31+$0x120] =	vst v5  }
0x146: {  	v5 =	vld.idx.msk [tilespmem:v6+s13+$0x0], $0xffff;
	_ =	sdelay $0x4  }
0x147: {  	s7 =	spop @!p0 (v2sf);
	v5 =	vmul.f32 $8.000000000e+00, v5  }
0x148: {  	s3 =	sand.u32 $0x7F, s3;
	s7 =	sand.u32 @!p0 $0xFFFFF80, s7  }
0x149: {  	s19 =	simm.s32 @!p0 $0xC180;
	s7 =	sadd.s32 @!p0 s2, s7;
	[tilespmem:s31+$0x130] =	vst v5;
	v5 =	vor.u32 s3, v0  }
0x14a: {  	[tilespmem:s19], [sflag:$0x3] =	stream.strided.gather @!p0 [hbm4b:s7+s0], $0x2000, s28, s0, $0x38;
	[tilespmem:$0x18180] =	vst v63  }
0x14b: {  	_ =	swait.ge [sflag:s22], $0x2000  }
0x14c: {  	[sflag:s22] =	ssyncset.done $0x0  }
0x14d: {  	[sflag:s22] =	ssyncadd.s32 $0xFFFFE000  }
0x14e: {  	v5 =	vld.idx.msk [tilespmem:v5+s14+$0x0], $0xffff;
	_ =	sdelay $0x2  }
0x14f: {  	v6 =	vor.u32 s3, v1;
	_ =	sdelay $0x1  }
0x150: {  	v5 =	vmul.f32 $8.000000000e+00, v5;
	_ =	sdelay $0x1  }
0x151: {  	[tilespmem:s31+$0x180] =	vst v5  }
0x152: {  	v5 =	vld.idx.msk [tilespmem:v6+s14+$0x0], $0xffff;
	_ =	sdelay $0x2  }
0x153: {  	v6 =	vor.u32 s3, v2;
	_ =	sdelay $0x1  }
0x154: {  	v5 =	vmul.f32 $8.000000000e+00, v5  }
0x155: {  	(v2sf) =	vpush @!p0 v4, $0x3  }
0x156: {  	[tilespmem:s31+$0x190] =	vst v5  }
0x157: {  	v5 =	vld.idx.msk [tilespmem:v6+s14+$0x0], $0xffff;
	_ =	sdelay $0x2  }
0x158: {  	v6 =	vor.u32 s3, v3;
	_ =	sdelay $0x1  }
0x159: {  	v5 =	vmul.f32 $8.000000000e+00, v5;
	_ =	sdelay $0x1  }
0x15a: {  	[tilespmem:s31+$0x1A0] =	vst v5  }
0x15b: {  	v5 =	vld.idx.msk [tilespmem:v6+s14+$0x0], $0xffff;
	_ =	sdelay $0x4  }
0x15c: {  	s3 =	spop @!p0 (v2sf);
	v5 =	vmul.f32 $8.000000000e+00, v5  }
0x15d: {  	s4 =	sand.u32 $0x7F, s4;
	s3 =	sand.u32 @!p0 $0xFFFFF80, s3  }
0x15e: {  	s7 =	simm.s32 @!p0 $0xE180;
	s3 =	sadd.s32 @!p0 s2, s3;
	[tilespmem:s31+$0x1B0] =	vst v5;
	v5 =	vor.u32 s4, v0  }
0x15f: {  	[tilespmem:s7], [sflag:$0x4] =	stream.strided.gather @!p0 [hbm4b:s3+s0], $0x2000, s28, s0, $0x38;
	[tilespmem:$0x18180] =	vst v63  }
0x160: {  	_ =	swait.ge [sflag:s23], $0x2000  }
0x161: {  	[sflag:s23] =	ssyncset.done $0x0  }
0x162: {  	[sflag:s23] =	ssyncadd.s32 $0xFFFFE000  }
0x163: {  	v5 =	vld.idx.msk [tilespmem:v5+s15+$0x0], $0xffff;
	_ =	sdelay $0x2  }
0x164: {  	v6 =	vor.u32 s4, v1;
	_ =	sdelay $0x1  }
0x165: {  	v5 =	vmul.f32 $8.000000000e+00, v5;
	_ =	sdelay $0x1  }
0x166: {  	[tilespmem:s31+$0x200] =	vst v5  }
0x167: {  	v5 =	vld.idx.msk [tilespmem:v6+s15+$0x0], $0xffff;
	_ =	sdelay $0x2  }
0x168: {  	v6 =	vor.u32 s4, v2;
	_ =	sdelay $0x1  }
0x169: {  	v5 =	vmul.f32 $8.000000000e+00, v5  }
0x16a: {  	(v2sf) =	vpush @!p0 v4, $0x4  }
0x16b: {  	[tilespmem:s31+$0x210] =	vst v5  }
0x16c: {  	v5 =	vld.idx.msk [tilespmem:v6+s15+$0x0], $0xffff;
	_ =	sdelay $0x2  }
0x16d: {  	v6 =	vor.u32 s4, v3;
	_ =	sdelay $0x1  }
0x16e: {  	v5 =	vmul.f32 $8.000000000e+00, v5;
	_ =	sdelay $0x1  }
0x16f: {  	[tilespmem:s31+$0x220] =	vst v5  }
0x170: {  	v5 =	vld.idx.msk [tilespmem:v6+s15+$0x0], $0xffff;
	_ =	sdelay $0x4  }
0x171: {  	s3 =	spop @!p0 (v2sf);
	v5 =	vmul.f32 $8.000000000e+00, v5  }
0x172: {  	s19 =	sand.u32 $0x7F, s5;
	s3 =	sand.u32 @!p0 $0xFFFFF80, s3  }
0x173: {  	s5 =	simm.s32 @!p0 $0x10180;
	s3 =	sadd.s32 @!p0 s2, s3;
	[tilespmem:s31+$0x230] =	vst v5;
	v5 =	vor.u32 s19, v0  }
0x174: {  	[tilespmem:s5], [sflag:$0x5] =	stream.strided.gather @!p0 [hbm4b:s3+s0], $0x2000, s28, s0, $0x38;
	[tilespmem:$0x18180] =	vst v63  }
0x175: {  	_ =	swait.ge [sflag:s24], $0x2000  }
0x176: {  	[sflag:s24] =	ssyncset.done $0x0  }
0x177: {  	[sflag:s24] =	ssyncadd.s32 $0xFFFFE000  }
0x178: {  	v5 =	vld.idx.msk [tilespmem:v5+s16+$0x0], $0xffff;
	_ =	sdelay $0x2  }
0x179: {  	v6 =	vor.u32 s19, v1;
	_ =	sdelay $0x1  }
0x17a: {  	v5 =	vmul.f32 $8.000000000e+00, v5;
	_ =	sdelay $0x1  }
0x17b: {  	[tilespmem:s31+$0x280] =	vst v5  }
0x17c: {  	v5 =	vld.idx.msk [tilespmem:v6+s16+$0x0], $0xffff;
	_ =	sdelay $0x2  }
0x17d: {  	v6 =	vor.u32 s19, v2;
	_ =	sdelay $0x1  }
0x17e: {  	v5 =	vmul.f32 $8.000000000e+00, v5  }
0x17f: {  	(v2sf) =	vpush @!p0 v4, $0x5  }
0x180: {  	[tilespmem:s31+$0x290] =	vst v5  }
0x181: {  	v5 =	vld.idx.msk [tilespmem:v6+s16+$0x0], $0xffff;
	_ =	sdelay $0x2  }
0x182: {  	v6 =	vor.u32 s19, v3;
	_ =	sdelay $0x1  }
0x183: {  	v5 =	vmul.f32 $8.000000000e+00, v5;
	_ =	sdelay $0x1  }
0x184: {  	[tilespmem:s31+$0x2A0] =	vst v5  }
0x185: {  	v5 =	vld.idx.msk [tilespmem:v6+s16+$0x0], $0xffff;
	_ =	sdelay $0x4  }
0x186: {  	s3 =	spop @!p0 (v2sf);
	v5 =	vmul.f32 $8.000000000e+00, v5  }
0x187: {  	s29 =	sand.u32 $0x7F, s6;
	s3 =	sand.u32 @!p0 $0xFFFFF80, s3  }
0x188: {  	s5 =	simm.s32 @!p0 $0x12180;
	s3 =	sadd.s32 @!p0 s2, s3;
	[tilespmem:s31+$0x2B0] =	vst v5;
	v5 =	vor.u32 s29, v0  }
0x189: {  	[tilespmem:s5], [sflag:$0x6] =	stream.strided.gather @!p0 [hbm4b:s3+s0], $0x2000, s28, s0, $0x38;
	[tilespmem:$0x18180] =	vst v63  }
0x18a: {  	_ =	swait.ge [sflag:s25], $0x2000  }
0x18b: {  	[sflag:s25] =	ssyncset.done $0x0  }
0x18c: {  	[sflag:s25] =	ssyncadd.s32 $0xFFFFE000  }
0x18d: {  	v5 =	vld.idx.msk [tilespmem:v5+s17+$0x0], $0xffff;
	_ =	sdelay $0x2  }
0x18e: {  	v6 =	vor.u32 s29, v1;
	_ =	sdelay $0x1  }
0x18f: {  	v5 =	vmul.f32 $8.000000000e+00, v5;
	_ =	sdelay $0x1  }
0x190: {  	[tilespmem:s31+$0x300] =	vst v5  }
0x191: {  	v5 =	vld.idx.msk [tilespmem:v6+s17+$0x0], $0xffff;
	_ =	sdelay $0x2  }
0x192: {  	v6 =	vor.u32 s29, v2;
	_ =	sdelay $0x1  }
0x193: {  	v5 =	vmul.f32 $8.000000000e+00, v5  }
0x194: {  	(v2sf) =	vpush @!p0 v4, $0x6  }
0x195: {  	[tilespmem:s31+$0x310] =	vst v5  }
0x196: {  	v5 =	vld.idx.msk [tilespmem:v6+s17+$0x0], $0xffff;
	_ =	sdelay $0x2  }
0x197: {  	v6 =	vor.u32 s29, v3;
	_ =	sdelay $0x1  }
0x198: {  	v5 =	vmul.f32 $8.000000000e+00, v5;
	_ =	sdelay $0x1  }
0x199: {  	[tilespmem:s31+$0x320] =	vst v5  }
0x19a: {  	v5 =	vld.idx.msk [tilespmem:v6+s17+$0x0], $0xffff;
	_ =	sdelay $0x4  }
0x19b: {  	s3 =	spop @!p0 (v2sf);
	v5 =	vmul.f32 $8.000000000e+00, v5  }
0x19c: {  	s30 =	sand.u32 $0x7F, s9;
	s3 =	sand.u32 @!p0 $0xFFFFF80, s3  }
0x19d: {  	s5 =	simm.s32 @!p0 $0x14180;
	s3 =	sadd.s32 @!p0 s2, s3;
	[tilespmem:s31+$0x330] =	vst v5;
	v5 =	vor.u32 s30, v0  }
0x19e: {  	[tilespmem:s5], [sflag:$0x7] =	stream.strided.gather @!p0 [hbm4b:s3+s0], $0x2000, s28, s0, $0x38;
	[tilespmem:$0x18180] =	vst v63  }
0x19f: {  	_ =	swait.ge [sflag:s26], $0x2000  }
0x1a0: {  	[sflag:s26] =	ssyncset.done $0x0  }
0x1a1: {  	[sflag:s26] =	ssyncadd.s32 $0xFFFFE000  }
0x1a2: {  	v5 =	vld.idx.msk [tilespmem:v5+s18+$0x0], $0xffff;
	_ =	sdelay $0x2  }
0x1a3: {  	v6 =	vor.u32 s30, v1;
	_ =	sdelay $0x1  }
0x1a4: {  	v5 =	vmul.f32 $8.000000000e+00, v5;
	_ =	sdelay $0x1  }
0x1a5: {  	[tilespmem:s31+$0x380] =	vst v5  }
0x1a6: {  	v5 =	vld.idx.msk [tilespmem:v6+s18+$0x0], $0xffff;
	_ =	sdelay $0x2  }
0x1a7: {  	v6 =	vor.u32 s30, v2;
	_ =	sdelay $0x1  }
0x1a8: {  	v5 =	vmul.f32 $8.000000000e+00, v5;
	_ =	sdelay $0x1  }
0x1a9: {  	[tilespmem:s31+$0x390] =	vst v5  }
0x1aa: {  	v5 =	vld.idx.msk [tilespmem:v6+s18+$0x0], $0xffff;
	_ =	sdelay $0x2  }
0x1ab: {  	v6 =	vor.u32 s30, v3;
	_ =	sdelay $0x1  }
0x1ac: {  	v5 =	vmul.f32 $8.000000000e+00, v5;
	_ =	sdelay $0x1  }
0x1ad: {  	[tilespmem:s31+$0x3A0] =	vst v5  }
0x1ae: {  	v5 =	vld.idx.msk [tilespmem:v6+s18+$0x0], $0xffff;
	_ =	sdelay $0x2  }
.Ltmp2:
0x1af: {  	_ = 	snop;
	(pc) =	sbr.rel @p0 .LBB2_4-.Ltmp2, $3  }
0x1b0: {  	_ = 	snop  }
0x1b1: {  	v5 =	vmul.f32 $8.000000000e+00, v5;
	_ =	sdelay $0x1  }
0x1b2: {  	[tilespmem:s31+$0x3B0] =	vst v5  }
0x1b3: {  	(v2sf) =	vpush v4, $0x7;
	_ =	sdelay $0xd  }
.Ltmp3:
0x1b4: {  	_ = 	snop;
	(pc) =	sbr.rel .LBB2_2-.Ltmp3, $4  }
0x1b5: {  	s0 =	spop (v2sf)  }
0x1b6: {  	s0 =	sand.u32 $0xFFFFF80, s0  }
0x1b7: {  	s1 =	sadd.s32 $0x40, s1;
	s31 =	sadd.s32 $0x800, s31;
	s0 =	sadd.s32 s2, s0  }
0x1b8: {  	[tilespmem:s18], [sflag:$0x8] =	stream.strided.gather [hbm4b:s0+s8], $0x2000, s10, s8, $0x38;
	[tilespmem:$0x18180] =	vst v63  }
.LBB2_5:
0x1b9: {  	_ =	sfence.sel $0x180000  }
0x1ba: {  	[bflag:$0x0] =	sbarrier.arrive $0xFFFF  }
0x1bb: {  	_ =	strace $0x90000047  }
0x1bc: {  	s0 =	stileid.u32;
	[bflag:$0x2] =	sbarrier.arrive $0xFFFF  }
0x1bd: {  	p0 =	sne.s32 s0, $0x0;
	s0 =	rddreg [dreg:$0x3]  }
0x1be: {  	s0 =	sadd.s32 @!p0 $0x100000, s0  }
0x1bf: {  	[sflag:s0] =	ssyncadd.tile.s32 @!p0 $0x1;
	_ =	shalt  }
.Lfunc_end2:
_tile_overlayer_lowered:
.L_overlay_start_2:
0x1c0: {  	(tag) =	ssettag $0x2  }
0x1c1: {  	s0 =	rddreg [dreg:$0x0];
	s2 =	stileid.u32  }
0x1c2: {  	s1 =	rddreg [dreg:$0x1];
	p0 =	sne.s32 s2, $0x0  }
0x1c3: {  	s3 =	rddreg [dreg:$0x2];
	[bflag:$0x3] =	sbarrier.arrive $0xFFFF;
	s2 =	simm.s32 @!p0 $0x1C0A  }
0x1c4: {  	[timem:s3], [sflag:s2] =	dma.local @!p0 [hbm:s0], s1  }
0x1c5: {  	s0 =	simm.s32 @!p0 $0xA  }
0x1c6: {  	_ =	swait.ge @!p0 [sflag:s0], s1  }
0x1c7: {  	s1 =	ssub.s32 @!p0 $0x0, s1;
	[sflag:s0] =	ssyncset.done @!p0 $0x0  }
0x1c8: {  	[sflag:s0] =	ssyncadd.s32 @!p0 s1  }
0x1c9: {  	[bflag:$0x3] =	sbarrier.arrive $0xFFFF  }
0x1ca: {  	_ =	shalt  }

</sc_bundles>
